<compile_context>
chip_gen: v7x
topology: tpu7x:2x2x1
jax: 0.10.2.dev20260603
libtpu: 0.0.44.dev20260713+nightly
codegen_flags: <defaults>
</compile_context>

<pallas_src>
import functools

import jax
import jax.numpy as jnp
from jax import lax
from jax.experimental import pallas as pl
from jax.experimental.pallas import tpu as pltpu
from jax.experimental.pallas import tpu_sc as plsc

EPS_ = 1e-12
NT_ = 1000
NSPLIT_ = 8
NSKILL_ = 64
D_ = NSPLIT_ * NSKILL_
B_ = 16384

NC_ = 2
NS_ = 16
NW_ = NC_ * NS_
BPW_ = B_ // NW_
CH_ = 32
NCH_ = BPW_ // CH_


def _norm_body(x_ref, o_ref):
    x = x_ref[:]
    p = 1.0 / (1.0 + jnp.exp(-x))
    j = lax.broadcasted_iota(jnp.int32, (D_, NSPLIT_), 0) // NSKILL_
    k = lax.broadcasted_iota(jnp.int32, (D_, NSPLIT_), 1)
    s_mat = (j == k).astype(jnp.float32)
    denom = jnp.dot(p, s_mat, preferred_element_type=jnp.float32)
    jj = lax.broadcasted_iota(jnp.int32, (NSPLIT_, D_), 1) // NSKILL_
    kk = lax.broadcasted_iota(jnp.int32, (NSPLIT_, D_), 0)
    e_mat = (jj == kk).astype(jnp.float32)
    dnb = jnp.dot(denom, e_mat, preferred_element_type=jnp.float32)
    o_ref[:] = p / (dnb + EPS_)


def _normalize_table(module_logits):
    return pl.pallas_call(
        _norm_body,
        out_shape=jax.ShapeDtypeStruct((NT_, D_), jnp.float32),
    )(module_logits)


NBUF_ = 6


def _gather_body(table_hbm, idx_hbm, out_hbm, idx_v,
                 r0, r1, r2, r3, r4, r5, g0, g1, g2, g3, g4, g5,
                 o0, o1, o2, o3, o4, o5):
    bufs = (r0, r1, r2, r3, r4, r5)
    gsem = (g0, g1, g2, g3, g4, g5)
    osem = (o0, o1, o2, o3, o4, o5)
    wid = lax.axis_index("s") * NC_ + lax.axis_index("c")
    base = wid * BPW_
    pltpu.sync_copy(idx_hbm.at[pl.ds(base, BPW_)], idx_v)

    gh = [None] * NCH_
    oh = [None] * NCH_
    for c in range(NBUF_):
        gh[c] = pltpu.async_copy(
            table_hbm.at[idx_v.at[pl.ds(c * CH_, CH_)]], bufs[c], gsem[c]
        )
    for c in range(NCH_):
        b = c % NBUF_
        gh[c].wait()
        oh[c] = pltpu.async_copy(
            bufs[b], out_hbm.at[pl.ds(base + c * CH_, CH_)], osem[b]
        )
        nxt = c + NBUF_
        if nxt < NCH_:
            oh[c].wait()
            gh[nxt] = pltpu.async_copy(
                table_hbm.at[idx_v.at[pl.ds(nxt * CH_, CH_)]], bufs[b], gsem[b]
            )
    for c in range(max(0, NCH_ - NBUF_), NCH_):
        oh[c].wait()


_sc_gather = functools.partial(
    pl.kernel,
    mesh=plsc.VectorSubcoreMesh(core_axis_name="c", subcore_axis_name="s"),
    out_type=jax.ShapeDtypeStruct((B_, D_), jnp.float32),
    scratch_types=[
        pltpu.VMEM((BPW_,), jnp.int32),
        pltpu.VMEM((CH_, D_), jnp.float32),
        pltpu.VMEM((CH_, D_), jnp.float32),
        pltpu.VMEM((CH_, D_), jnp.float32),
        pltpu.VMEM((CH_, D_), jnp.float32),
        pltpu.VMEM((CH_, D_), jnp.float32),
        pltpu.VMEM((CH_, D_), jnp.float32),
        pltpu.SemaphoreType.DMA,
        pltpu.SemaphoreType.DMA,
        pltpu.SemaphoreType.DMA,
        pltpu.SemaphoreType.DMA,
        pltpu.SemaphoreType.DMA,
        pltpu.SemaphoreType.DMA,
        pltpu.SemaphoreType.DMA,
        pltpu.SemaphoreType.DMA,
        pltpu.SemaphoreType.DMA,
        pltpu.SemaphoreType.DMA,
        pltpu.SemaphoreType.DMA,
        pltpu.SemaphoreType.DMA,
    ],
)(_gather_body)


def kernel(task_ids, input_ids, module_logits):
    del input_ids
    table = _normalize_table(module_logits)
    out = _sc_gather(table, task_ids.astype(jnp.int32))
    return out.reshape(B_, NSPLIT_, NSKILL_)

# --- scband reference (transcript-rebuilt; emitter-appended) ---
"""Pipeline reference for scband-poly-router-28080496181308 (READ-ONLY COPY).

The authoritative reference and input builder live on the scoring server;
editing this copy changes nothing except your own understanding.
"""

import jax, jax.numpy as jnp
import numpy as np

EPS = 1e-12
N_TASKS = 1000
N_SPLITS = 8
N_SKILLS = 64
BATCH = 16384

def setup_inputs(seed: int = 0) -> dict:
    key = jax.random.key(seed)
    k1, k2, k3 = jax.random.split(key, 3)
    task_ids = jax.random.randint(k1, (BATCH,), 0, N_TASKS, dtype=jnp.int64 if jax.config.jax_enable_x64 else jnp.int32)
    input_ids = jax.random.randint(k2, (BATCH, 20), 0, 32000, dtype=jnp.int64 if jax.config.jax_enable_x64 else jnp.int32)
    # learned parameter: module_logits, init uniform(-0.001, 0.001) per reset()
    module_logits = jax.random.uniform(k3, (N_TASKS, N_SPLITS * N_SKILLS), dtype=jnp.float32, minval=-0.001, maxval=0.001)
    return {"task_ids": task_ids, "input_ids": input_ids, "module_logits": module_logits}

def reference(task_ids, input_ids, module_logits):
    # eval-mode forward (sigmoid path; RelaxedBernoulli rsample only in training)
    # input_ids is accepted but unused, matching the torch module
    logits = jnp.take(module_logits, task_ids, axis=0)  # gather: [B, n_splits*n_skills]
    logits = logits.reshape(-1, N_SPLITS, N_SKILLS)
    probs = jax.nn.sigmoid(logits)
    module_weights = probs / (jnp.sum(probs, axis=-1, keepdims=True) + EPS)
    return module_weights

if __name__ == "__main__":
    import jax
    _d = setup_inputs()
    print(jax.jit(kernel)(*tuple(_d.values())))

</pallas_src>

<mosaic_0001>
#map = affine_map<(d0, d1) -> (0, 0)>
#map1 = affine_map<(d0, d1) -> (0)>
module attributes {stable_mosaic.version = 14 : i64} {
  func.func @_gather_body(%arg0: i32, %arg1: i32, %arg2: memref<1000x512xf32, #tpu.memory_space<hbm>>, %arg3: memref<16384xi32, #tpu.memory_space<hbm>>, %arg4: memref<16384x512xf32, #tpu.memory_space<hbm>>, %arg5: memref<512xi32, #tpu.memory_space<vmem>>, %arg6: memref<32x512xf32, #tpu.memory_space<vmem>>, %arg7: memref<32x512xf32, #tpu.memory_space<vmem>>, %arg8: memref<32x512xf32, #tpu.memory_space<vmem>>, %arg9: memref<32x512xf32, #tpu.memory_space<vmem>>, %arg10: memref<32x512xf32, #tpu.memory_space<vmem>>, %arg11: memref<32x512xf32, #tpu.memory_space<vmem>>, %arg12: memref<!tpu.dma_semaphore, #tpu.memory_space<semaphore_mem>>, %arg13: memref<!tpu.dma_semaphore, #tpu.memory_space<semaphore_mem>>, %arg14: memref<!tpu.dma_semaphore, #tpu.memory_space<semaphore_mem>>, %arg15: memref<!tpu.dma_semaphore, #tpu.memory_space<semaphore_mem>>, %arg16: memref<!tpu.dma_semaphore, #tpu.memory_space<semaphore_mem>>, %arg17: memref<!tpu.dma_semaphore, #tpu.memory_space<semaphore_mem>>, %arg18: memref<!tpu.dma_semaphore, #tpu.memory_space<semaphore_mem>>, %arg19: memref<!tpu.dma_semaphore, #tpu.memory_space<semaphore_mem>>, %arg20: memref<!tpu.dma_semaphore, #tpu.memory_space<semaphore_mem>>, %arg21: memref<!tpu.dma_semaphore, #tpu.memory_space<semaphore_mem>>, %arg22: memref<!tpu.dma_semaphore, #tpu.memory_space<semaphore_mem>>, %arg23: memref<!tpu.dma_semaphore, #tpu.memory_space<semaphore_mem>>) attributes {dimension_semantics = [#tpu.dimension_semantics<core_parallel>, #tpu.dimension_semantics<subcore_parallel>], iteration_bounds = array<i64: 2, 16>, scalar_prefetch = 0 : i64, scratch_operands = 19 : i64, tpu.core_type = #tpu.core_type<sc_vector_subcore>, window_params = [{transform_indices = #map}, {transform_indices = #map1}, {transform_indices = #map}]} {
    %mul3A = arith.constant 2 : i32
    %mul3A_0 = arith.muli %arg1, %mul3A : i32
    %add3A = arith.addi %mul3A_0, %arg0 : i32
    %mul3A_1 = arith.constant 512 : i32
    %mul3A_2 = arith.muli %add3A, %mul3A_1 : i32
    "tpu.region"() ({
      %run_scoped3A = tpu.sem_alloc : memref<!tpu.dma_semaphore, #tpu.memory_space<semaphore_mem>>
      %dma_start3A_321 = tpu.memref_slice %arg3[%mul3A_2] : memref<16384xi32, #tpu.memory_space<hbm>> -> memref<512xi32, #tpu.memory_space<hbm>>
      %dma_start3A_322 = tpu.memref_slice %arg3[%mul3A_2] : memref<16384xi32, #tpu.memory_space<hbm>> -> memref<512xi32, #tpu.memory_space<hbm>>
      tpu.enqueue_dma source(%dma_start3A_322 : memref<512xi32, #tpu.memory_space<hbm>>) target(%arg5 : memref<512xi32, #tpu.memory_space<vmem>>) target_semaphore(%run_scoped3A : memref<!tpu.dma_semaphore, #tpu.memory_space<semaphore_mem>>)
      %dma_wait3A_323 = tpu.memref_slice %arg3[%mul3A_2] : memref<16384xi32, #tpu.memory_space<hbm>> -> memref<512xi32, #tpu.memory_space<hbm>>
      %dma_wait3A_324 = tpu.memref_slice %arg3[%mul3A_2] : memref<16384xi32, #tpu.memory_space<hbm>> -> memref<512xi32, #tpu.memory_space<hbm>>
      tpu.wait_dma2 semaphore(%run_scoped3A : memref<!tpu.dma_semaphore, #tpu.memory_space<semaphore_mem>>) src(%dma_wait3A_324 : memref<512xi32, #tpu.memory_space<hbm>>) dst(%arg5 : memref<512xi32, #tpu.memory_space<vmem>>)
      tpu.yield
    }) : () -> ()
    %dma_start3A = arith.constant 0 : i32
    %dma_start3A_3 = tpu.memref_slice %arg5[%dma_start3A] : memref<512xi32, #tpu.memory_space<vmem>> -> memref<32xi32, #tpu.memory_space<vmem>>
    %dma_start3A_4 = arith.constant 0 : i32
    %dma_start3A_5 = arith.constant 0 : i32
    %dma_start3A_6 = tpu.memref_slice %arg2[%dma_start3A_4, %dma_start3A_5] : memref<1000x512xf32, #tpu.memory_space<hbm>> -> memref<1000x512xf32, #tpu.memory_space<hbm>>
    tpu.enqueue_indirect_dma source(%dma_start3A_6 : memref<1000x512xf32, #tpu.memory_space<hbm>>) target(%arg6 : memref<32x512xf32, #tpu.memory_space<vmem>>) offsets(%dma_start3A_3 : memref<32xi32, #tpu.memory_space<vmem>>) semaphore(%arg12 : memref<!tpu.dma_semaphore, #tpu.memory_space<semaphore_mem>>)
    %dma_start3A_7 = arith.constant 32 : i32
    %dma_start3A_8 = tpu.memref_slice %arg5[%dma_start3A_7] : memref<512xi32, #tpu.memory_space<vmem>> -> memref<32xi32, #tpu.memory_space<vmem>>
    %dma_start3A_9 = arith.constant 0 : i32
    %dma_start3A_10 = arith.constant 0 : i32
    %dma_start3A_11 = tpu.memref_slice %arg2[%dma_start3A_9, %dma_start3A_10] : memref<1000x512xf32, #tpu.memory_space<hbm>> -> memref<1000x512xf32, #tpu.memory_space<hbm>>
    tpu.enqueue_indirect_dma source(%dma_start3A_11 : memref<1000x512xf32, #tpu.memory_space<hbm>>) target(%arg7 : memref<32x512xf32, #tpu.memory_space<vmem>>) offsets(%dma_start3A_8 : memref<32xi32, #tpu.memory_space<vmem>>) semaphore(%arg13 : memref<!tpu.dma_semaphore, #tpu.memory_space<semaphore_mem>>)
    %dma_start3A_12 = arith.constant 64 : i32
    %dma_start3A_13 = tpu.memref_slice %arg5[%dma_start3A_12] : memref<512xi32, #tpu.memory_space<vmem>> -> memref<32xi32, #tpu.memory_space<vmem>>
    %dma_start3A_14 = arith.constant 0 : i32
    %dma_start3A_15 = arith.constant 0 : i32
    %dma_start3A_16 = tpu.memref_slice %arg2[%dma_start3A_14, %dma_start3A_15] : memref<1000x512xf32, #tpu.memory_space<hbm>> -> memref<1000x512xf32, #tpu.memory_space<hbm>>
    tpu.enqueue_indirect_dma source(%dma_start3A_16 : memref<1000x512xf32, #tpu.memory_space<hbm>>) target(%arg8 : memref<32x512xf32, #tpu.memory_space<vmem>>) offsets(%dma_start3A_13 : memref<32xi32, #tpu.memory_space<vmem>>) semaphore(%arg14 : memref<!tpu.dma_semaphore, #tpu.memory_space<semaphore_mem>>)
    %dma_start3A_17 = arith.constant 96 : i32
    %dma_start3A_18 = tpu.memref_slice %arg5[%dma_start3A_17] : memref<512xi32, #tpu.memory_space<vmem>> -> memref<32xi32, #tpu.memory_space<vmem>>
    %dma_start3A_19 = arith.constant 0 : i32
    %dma_start3A_20 = arith.constant 0 : i32
    %dma_start3A_21 = tpu.memref_slice %arg2[%dma_start3A_19, %dma_start3A_20] : memref<1000x512xf32, #tpu.memory_space<hbm>> -> memref<1000x512xf32, #tpu.memory_space<hbm>>
    tpu.enqueue_indirect_dma source(%dma_start3A_21 : memref<1000x512xf32, #tpu.memory_space<hbm>>) target(%arg9 : memref<32x512xf32, #tpu.memory_space<vmem>>) offsets(%dma_start3A_18 : memref<32xi32, #tpu.memory_space<vmem>>) semaphore(%arg15 : memref<!tpu.dma_semaphore, #tpu.memory_space<semaphore_mem>>)
    %dma_start3A_22 = arith.constant 128 : i32
    %dma_start3A_23 = tpu.memref_slice %arg5[%dma_start3A_22] : memref<512xi32, #tpu.memory_space<vmem>> -> memref<32xi32, #tpu.memory_space<vmem>>
    %dma_start3A_24 = arith.constant 0 : i32
    %dma_start3A_25 = arith.constant 0 : i32
    %dma_start3A_26 = tpu.memref_slice %arg2[%dma_start3A_24, %dma_start3A_25] : memref<1000x512xf32, #tpu.memory_space<hbm>> -> memref<1000x512xf32, #tpu.memory_space<hbm>>
    tpu.enqueue_indirect_dma source(%dma_start3A_26 : memref<1000x512xf32, #tpu.memory_space<hbm>>) target(%arg10 : memref<32x512xf32, #tpu.memory_space<vmem>>) offsets(%dma_start3A_23 : memref<32xi32, #tpu.memory_space<vmem>>) semaphore(%arg16 : memref<!tpu.dma_semaphore, #tpu.memory_space<semaphore_mem>>)
    %dma_start3A_27 = arith.constant 160 : i32
    %dma_start3A_28 = tpu.memref_slice %arg5[%dma_start3A_27] : memref<512xi32, #tpu.memory_space<vmem>> -> memref<32xi32, #tpu.memory_space<vmem>>
    %dma_start3A_29 = arith.constant 0 : i32
    %dma_start3A_30 = arith.constant 0 : i32
    %dma_start3A_31 = tpu.memref_slice %arg2[%dma_start3A_29, %dma_start3A_30] : memref<1000x512xf32, #tpu.memory_space<hbm>> -> memref<1000x512xf32, #tpu.memory_space<hbm>>
    tpu.enqueue_indirect_dma source(%dma_start3A_31 : memref<1000x512xf32, #tpu.memory_space<hbm>>) target(%arg11 : memref<32x512xf32, #tpu.memory_space<vmem>>) offsets(%dma_start3A_28 : memref<32xi32, #tpu.memory_space<vmem>>) semaphore(%arg17 : memref<!tpu.dma_semaphore, #tpu.memory_space<semaphore_mem>>)
    %dma_wait3A = arith.constant 0 : i32
    %dma_wait3A_32 = tpu.memref_slice %arg5[%dma_wait3A] : memref<512xi32, #tpu.memory_space<vmem>> -> memref<32xi32, #tpu.memory_space<vmem>>
    %dma_wait3A_33 = arith.constant 0 : i32
    %dma_wait3A_34 = arith.constant 0 : i32
    %dma_wait3A_35 = tpu.memref_slice %arg2[%dma_wait3A_33, %dma_wait3A_34] : memref<1000x512xf32, #tpu.memory_space<hbm>> -> memref<1000x512xf32, #tpu.memory_space<hbm>>
    tpu.wait_indirect_dma semaphore(%arg12 : memref<!tpu.dma_semaphore, #tpu.memory_space<semaphore_mem>>) src(%dma_wait3A_35 : memref<1000x512xf32, #tpu.memory_space<hbm>>) dst(%arg6 : memref<32x512xf32, #tpu.memory_space<vmem>>)
    %add3A_36 = arith.constant 0 : i32
    %add3A_37 = arith.addi %mul3A_2, %add3A_36 : i32
    %dma_start3A_38 = arith.constant 0 : i32
    %dma_start3A_39 = tpu.memref_slice %arg4[%add3A_37, %dma_start3A_38] : memref<16384x512xf32, #tpu.memory_space<hbm>> -> memref<32x512xf32, #tpu.memory_space<hbm>>
    %dma_start3A_40 = arith.constant 0 : i32
    %dma_start3A_41 = tpu.memref_slice %arg4[%add3A_37, %dma_start3A_40] : memref<16384x512xf32, #tpu.memory_space<hbm>> -> memref<32x512xf32, #tpu.memory_space<hbm>>
    tpu.enqueue_dma source(%arg6 : memref<32x512xf32, #tpu.memory_space<vmem>>) target(%dma_start3A_41 : memref<32x512xf32, #tpu.memory_space<hbm>>) target_semaphore(%arg18 : memref<!tpu.dma_semaphore, #tpu.memory_space<semaphore_mem>>)
    %dma_wait3A_42 = arith.constant 0 : i32
    %dma_wait3A_43 = tpu.memref_slice %arg4[%add3A_37, %dma_wait3A_42] : memref<16384x512xf32, #tpu.memory_space<hbm>> -> memref<32x512xf32, #tpu.memory_space<hbm>>
    %dma_wait3A_44 = arith.constant 0 : i32
    %dma_wait3A_45 = tpu.memref_slice %arg4[%add3A_37, %dma_wait3A_44] : memref<16384x512xf32, #tpu.memory_space<hbm>> -> memref<32x512xf32, #tpu.memory_space<hbm>>
    tpu.wait_dma2 semaphore(%arg18 : memref<!tpu.dma_semaphore, #tpu.memory_space<semaphore_mem>>) src(%arg6 : memref<32x512xf32, #tpu.memory_space<vmem>>) dst(%dma_wait3A_45 : memref<32x512xf32, #tpu.memory_space<hbm>>)
    %dma_start3A_46 = arith.constant 192 : i32
    %dma_start3A_47 = tpu.memref_slice %arg5[%dma_start3A_46] : memref<512xi32, #tpu.memory_space<vmem>> -> memref<32xi32, #tpu.memory_space<vmem>>
    %dma_start3A_48 = arith.constant 0 : i32
    %dma_start3A_49 = arith.constant 0 : i32
    %dma_start3A_50 = tpu.memref_slice %arg2[%dma_start3A_48, %dma_start3A_49] : memref<1000x512xf32, #tpu.memory_space<hbm>> -> memref<1000x512xf32, #tpu.memory_space<hbm>>
    tpu.enqueue_indirect_dma source(%dma_start3A_50 : memref<1000x512xf32, #tpu.memory_space<hbm>>) target(%arg6 : memref<32x512xf32, #tpu.memory_space<vmem>>) offsets(%dma_start3A_47 : memref<32xi32, #tpu.memory_space<vmem>>) semaphore(%arg12 : memref<!tpu.dma_semaphore, #tpu.memory_space<semaphore_mem>>)
    %dma_wait3A_51 = arith.constant 32 : i32
    %dma_wait3A_52 = tpu.memref_slice %arg5[%dma_wait3A_51] : memref<512xi32, #tpu.memory_space<vmem>> -> memref<32xi32, #tpu.memory_space<vmem>>
    %dma_wait3A_53 = arith.constant 0 : i32
    %dma_wait3A_54 = arith.constant 0 : i32
    %dma_wait3A_55 = tpu.memref_slice %arg2[%dma_wait3A_53, %dma_wait3A_54] : memref<1000x512xf32, #tpu.memory_space<hbm>> -> memref<1000x512xf32, #tpu.memory_space<hbm>>
    tpu.wait_indirect_dma semaphore(%arg13 : memref<!tpu.dma_semaphore, #tpu.memory_space<semaphore_mem>>) src(%dma_wait3A_55 : memref<1000x512xf32, #tpu.memory_space<hbm>>) dst(%arg7 : memref<32x512xf32, #tpu.memory_space<vmem>>)
    %add3A_56 = arith.constant 32 : i32
    %add3A_57 = arith.addi %mul3A_2, %add3A_56 : i32
    %dma_start3A_58 = arith.constant 0 : i32
    %dma_start3A_59 = tpu.memref_slice %arg4[%add3A_57, %dma_start3A_58] : memref<16384x512xf32, #tpu.memory_space<hbm>> -> memref<32x512xf32, #tpu.memory_space<hbm>>
    %dma_start3A_60 = arith.constant 0 : i32
    %dma_start3A_61 = tpu.memref_slice %arg4[%add3A_57, %dma_start3A_60] : memref<16384x512xf32, #tpu.memory_space<hbm>> -> memref<32x512xf32, #tpu.memory_space<hbm>>
    tpu.enqueue_dma source(%arg7 : memref<32x512xf32, #tpu.memory_space<vmem>>) target(%dma_start3A_61 : memref<32x512xf32, #tpu.memory_space<hbm>>) target_semaphore(%arg19 : memref<!tpu.dma_semaphore, #tpu.memory_space<semaphore_mem>>)
    %dma_wait3A_62 = arith.constant 0 : i32
    %dma_wait3A_63 = tpu.memref_slice %arg4[%add3A_57, %dma_wait3A_62] : memref<16384x512xf32, #tpu.memory_space<hbm>> -> memref<32x512xf32, #tpu.memory_space<hbm>>
    %dma_wait3A_64 = arith.constant 0 : i32
    %dma_wait3A_65 = tpu.memref_slice %arg4[%add3A_57, %dma_wait3A_64] : memref<16384x512xf32, #tpu.memory_space<hbm>> -> memref<32x512xf32, #tpu.memory_space<hbm>>
    tpu.wait_dma2 semaphore(%arg19 : memref<!tpu.dma_semaphore, #tpu.memory_space<semaphore_mem>>) src(%arg7 : memref<32x512xf32, #tpu.memory_space<vmem>>) dst(%dma_wait3A_65 : memref<32x512xf32, #tpu.memory_space<hbm>>)
    %dma_start3A_66 = arith.constant 224 : i32
    %dma_start3A_67 = tpu.memref_slice %arg5[%dma_start3A_66] : memref<512xi32, #tpu.memory_space<vmem>> -> memref<32xi32, #tpu.memory_space<vmem>>
    %dma_start3A_68 = arith.constant 0 : i32
    %dma_start3A_69 = arith.constant 0 : i32
    %dma_start3A_70 = tpu.memref_slice %arg2[%dma_start3A_68, %dma_start3A_69] : memref<1000x512xf32, #tpu.memory_space<hbm>> -> memref<1000x512xf32, #tpu.memory_space<hbm>>
    tpu.enqueue_indirect_dma source(%dma_start3A_70 : memref<1000x512xf32, #tpu.memory_space<hbm>>) target(%arg7 : memref<32x512xf32, #tpu.memory_space<vmem>>) offsets(%dma_start3A_67 : memref<32xi32, #tpu.memory_space<vmem>>) semaphore(%arg13 : memref<!tpu.dma_semaphore, #tpu.memory_space<semaphore_mem>>)
    %dma_wait3A_71 = arith.constant 64 : i32
    %dma_wait3A_72 = tpu.memref_slice %arg5[%dma_wait3A_71] : memref<512xi32, #tpu.memory_space<vmem>> -> memref<32xi32, #tpu.memory_space<vmem>>
    %dma_wait3A_73 = arith.constant 0 : i32
    %dma_wait3A_74 = arith.constant 0 : i32
    %dma_wait3A_75 = tpu.memref_slice %arg2[%dma_wait3A_73, %dma_wait3A_74] : memref<1000x512xf32, #tpu.memory_space<hbm>> -> memref<1000x512xf32, #tpu.memory_space<hbm>>
    tpu.wait_indirect_dma semaphore(%arg14 : memref<!tpu.dma_semaphore, #tpu.memory_space<semaphore_mem>>) src(%dma_wait3A_75 : memref<1000x512xf32, #tpu.memory_space<hbm>>) dst(%arg8 : memref<32x512xf32, #tpu.memory_space<vmem>>)
    %add3A_76 = arith.constant 64 : i32
    %add3A_77 = arith.addi %mul3A_2, %add3A_76 : i32
    %dma_start3A_78 = arith.constant 0 : i32
    %dma_start3A_79 = tpu.memref_slice %arg4[%add3A_77, %dma_start3A_78] : memref<16384x512xf32, #tpu.memory_space<hbm>> -> memref<32x512xf32, #tpu.memory_space<hbm>>
    %dma_start3A_80 = arith.constant 0 : i32
    %dma_start3A_81 = tpu.memref_slice %arg4[%add3A_77, %dma_start3A_80] : memref<16384x512xf32, #tpu.memory_space<hbm>> -> memref<32x512xf32, #tpu.memory_space<hbm>>
    tpu.enqueue_dma source(%arg8 : memref<32x512xf32, #tpu.memory_space<vmem>>) target(%dma_start3A_81 : memref<32x512xf32, #tpu.memory_space<hbm>>) target_semaphore(%arg20 : memref<!tpu.dma_semaphore, #tpu.memory_space<semaphore_mem>>)
    %dma_wait3A_82 = arith.constant 0 : i32
    %dma_wait3A_83 = tpu.memref_slice %arg4[%add3A_77, %dma_wait3A_82] : memref<16384x512xf32, #tpu.memory_space<hbm>> -> memref<32x512xf32, #tpu.memory_space<hbm>>
    %dma_wait3A_84 = arith.constant 0 : i32
    %dma_wait3A_85 = tpu.memref_slice %arg4[%add3A_77, %dma_wait3A_84] : memref<16384x512xf32, #tpu.memory_space<hbm>> -> memref<32x512xf32, #tpu.memory_space<hbm>>
    tpu.wait_dma2 semaphore(%arg20 : memref<!tpu.dma_semaphore, #tpu.memory_space<semaphore_mem>>) src(%arg8 : memref<32x512xf32, #tpu.memory_space<vmem>>) dst(%dma_wait3A_85 : memref<32x512xf32, #tpu.memory_space<hbm>>)
    %dma_start3A_86 = arith.constant 256 : i32
    %dma_start3A_87 = tpu.memref_slice %arg5[%dma_start3A_86] : memref<512xi32, #tpu.memory_space<vmem>> -> memref<32xi32, #tpu.memory_space<vmem>>
    %dma_start3A_88 = arith.constant 0 : i32
    %dma_start3A_89 = arith.constant 0 : i32
    %dma_start3A_90 = tpu.memref_slice %arg2[%dma_start3A_88, %dma_start3A_89] : memref<1000x512xf32, #tpu.memory_space<hbm>> -> memref<1000x512xf32, #tpu.memory_space<hbm>>
    tpu.enqueue_indirect_dma source(%dma_start3A_90 : memref<1000x512xf32, #tpu.memory_space<hbm>>) target(%arg8 : memref<32x512xf32, #tpu.memory_space<vmem>>) offsets(%dma_start3A_87 : memref<32xi32, #tpu.memory_space<vmem>>) semaphore(%arg14 : memref<!tpu.dma_semaphore, #tpu.memory_space<semaphore_mem>>)
    %dma_wait3A_91 = arith.constant 96 : i32
    %dma_wait3A_92 = tpu.memref_slice %arg5[%dma_wait3A_91] : memref<512xi32, #tpu.memory_space<vmem>> -> memref<32xi32, #tpu.memory_space<vmem>>
    %dma_wait3A_93 = arith.constant 0 : i32
    %dma_wait3A_94 = arith.constant 0 : i32
    %dma_wait3A_95 = tpu.memref_slice %arg2[%dma_wait3A_93, %dma_wait3A_94] : memref<1000x512xf32, #tpu.memory_space<hbm>> -> memref<1000x512xf32, #tpu.memory_space<hbm>>
    tpu.wait_indirect_dma semaphore(%arg15 : memref<!tpu.dma_semaphore, #tpu.memory_space<semaphore_mem>>) src(%dma_wait3A_95 : memref<1000x512xf32, #tpu.memory_space<hbm>>) dst(%arg9 : memref<32x512xf32, #tpu.memory_space<vmem>>)
    %add3A_96 = arith.constant 96 : i32
    %add3A_97 = arith.addi %mul3A_2, %add3A_96 : i32
    %dma_start3A_98 = arith.constant 0 : i32
    %dma_start3A_99 = tpu.memref_slice %arg4[%add3A_97, %dma_start3A_98] : memref<16384x512xf32, #tpu.memory_space<hbm>> -> memref<32x512xf32, #tpu.memory_space<hbm>>
    %dma_start3A_100 = arith.constant 0 : i32
    %dma_start3A_101 = tpu.memref_slice %arg4[%add3A_97, %dma_start3A_100] : memref<16384x512xf32, #tpu.memory_space<hbm>> -> memref<32x512xf32, #tpu.memory_space<hbm>>
    tpu.enqueue_dma source(%arg9 : memref<32x512xf32, #tpu.memory_space<vmem>>) target(%dma_start3A_101 : memref<32x512xf32, #tpu.memory_space<hbm>>) target_semaphore(%arg21 : memref<!tpu.dma_semaphore, #tpu.memory_space<semaphore_mem>>)
    %dma_wait3A_102 = arith.constant 0 : i32
    %dma_wait3A_103 = tpu.memref_slice %arg4[%add3A_97, %dma_wait3A_102] : memref<16384x512xf32, #tpu.memory_space<hbm>> -> memref<32x512xf32, #tpu.memory_space<hbm>>
    %dma_wait3A_104 = arith.constant 0 : i32
    %dma_wait3A_105 = tpu.memref_slice %arg4[%add3A_97, %dma_wait3A_104] : memref<16384x512xf32, #tpu.memory_space<hbm>> -> memref<32x512xf32, #tpu.memory_space<hbm>>
    tpu.wait_dma2 semaphore(%arg21 : memref<!tpu.dma_semaphore, #tpu.memory_space<semaphore_mem>>) src(%arg9 : memref<32x512xf32, #tpu.memory_space<vmem>>) dst(%dma_wait3A_105 : memref<32x512xf32, #tpu.memory_space<hbm>>)
    %dma_start3A_106 = arith.constant 288 : i32
    %dma_start3A_107 = tpu.memref_slice %arg5[%dma_start3A_106] : memref<512xi32, #tpu.memory_space<vmem>> -> memref<32xi32, #tpu.memory_space<vmem>>
    %dma_start3A_108 = arith.constant 0 : i32
    %dma_start3A_109 = arith.constant 0 : i32
    %dma_start3A_110 = tpu.memref_slice %arg2[%dma_start3A_108, %dma_start3A_109] : memref<1000x512xf32, #tpu.memory_space<hbm>> -> memref<1000x512xf32, #tpu.memory_space<hbm>>
    tpu.enqueue_indirect_dma source(%dma_start3A_110 : memref<1000x512xf32, #tpu.memory_space<hbm>>) target(%arg9 : memref<32x512xf32, #tpu.memory_space<vmem>>) offsets(%dma_start3A_107 : memref<32xi32, #tpu.memory_space<vmem>>) semaphore(%arg15 : memref<!tpu.dma_semaphore, #tpu.memory_space<semaphore_mem>>)
    %dma_wait3A_111 = arith.constant 128 : i32
    %dma_wait3A_112 = tpu.memref_slice %arg5[%dma_wait3A_111] : memref<512xi32, #tpu.memory_space<vmem>> -> memref<32xi32, #tpu.memory_space<vmem>>
    %dma_wait3A_113 = arith.constant 0 : i32
    %dma_wait3A_114 = arith.constant 0 : i32
    %dma_wait3A_115 = tpu.memref_slice %arg2[%dma_wait3A_113, %dma_wait3A_114] : memref<1000x512xf32, #tpu.memory_space<hbm>> -> memref<1000x512xf32, #tpu.memory_space<hbm>>
    tpu.wait_indirect_dma semaphore(%arg16 : memref<!tpu.dma_semaphore, #tpu.memory_space<semaphore_mem>>) src(%dma_wait3A_115 : memref<1000x512xf32, #tpu.memory_space<hbm>>) dst(%arg10 : memref<32x512xf32, #tpu.memory_space<vmem>>)
    %add3A_116 = arith.constant 128 : i32
    %add3A_117 = arith.addi %mul3A_2, %add3A_116 : i32
    %dma_start3A_118 = arith.constant 0 : i32
    %dma_start3A_119 = tpu.memref_slice %arg4[%add3A_117, %dma_start3A_118] : memref<16384x512xf32, #tpu.memory_space<hbm>> -> memref<32x512xf32, #tpu.memory_space<hbm>>
    %dma_start3A_120 = arith.constant 0 : i32
    %dma_start3A_121 = tpu.memref_slice %arg4[%add3A_117, %dma_start3A_120] : memref<16384x512xf32, #tpu.memory_space<hbm>> -> memref<32x512xf32, #tpu.memory_space<hbm>>
    tpu.enqueue_dma source(%arg10 : memref<32x512xf32, #tpu.memory_space<vmem>>) target(%dma_start3A_121 : memref<32x512xf32, #tpu.memory_space<hbm>>) target_semaphore(%arg22 : memref<!tpu.dma_semaphore, #tpu.memory_space<semaphore_mem>>)
    %dma_wait3A_122 = arith.constant 0 : i32
    %dma_wait3A_123 = tpu.memref_slice %arg4[%add3A_117, %dma_wait3A_122] : memref<16384x512xf32, #tpu.memory_space<hbm>> -> memref<32x512xf32, #tpu.memory_space<hbm>>
    %dma_wait3A_124 = arith.constant 0 : i32
    %dma_wait3A_125 = tpu.memref_slice %arg4[%add3A_117, %dma_wait3A_124] : memref<16384x512xf32, #tpu.memory_space<hbm>> -> memref<32x512xf32, #tpu.memory_space<hbm>>
    tpu.wait_dma2 semaphore(%arg22 : memref<!tpu.dma_semaphore, #tpu.memory_space<semaphore_mem>>) src(%arg10 : memref<32x512xf32, #tpu.memory_space<vmem>>) dst(%dma_wait3A_125 : memref<32x512xf32, #tpu.memory_space<hbm>>)
    %dma_start3A_126 = arith.constant 320 : i32
    %dma_start3A_127 = tpu.memref_slice %arg5[%dma_start3A_126] : memref<512xi32, #tpu.memory_space<vmem>> -> memref<32xi32, #tpu.memory_space<vmem>>
    %dma_start3A_128 = arith.constant 0 : i32
    %dma_start3A_129 = arith.constant 0 : i32
    %dma_start3A_130 = tpu.memref_slice %arg2[%dma_start3A_128, %dma_start3A_129] : memref<1000x512xf32, #tpu.memory_space<hbm>> -> memref<1000x512xf32, #tpu.memory_space<hbm>>
    tpu.enqueue_indirect_dma source(%dma_start3A_130 : memref<1000x512xf32, #tpu.memory_space<hbm>>) target(%arg10 : memref<32x512xf32, #tpu.memory_space<vmem>>) offsets(%dma_start3A_127 : memref<32xi32, #tpu.memory_space<vmem>>) semaphore(%arg16 : memref<!tpu.dma_semaphore, #tpu.memory_space<semaphore_mem>>)
    %dma_wait3A_131 = arith.constant 160 : i32
    %dma_wait3A_132 = tpu.memref_slice %arg5[%dma_wait3A_131] : memref<512xi32, #tpu.memory_space<vmem>> -> memref<32xi32, #tpu.memory_space<vmem>>
    %dma_wait3A_133 = arith.constant 0 : i32
    %dma_wait3A_134 = arith.constant 0 : i32
    %dma_wait3A_135 = tpu.memref_slice %arg2[%dma_wait3A_133, %dma_wait3A_134] : memref<1000x512xf32, #tpu.memory_space<hbm>> -> memref<1000x512xf32, #tpu.memory_space<hbm>>
    tpu.wait_indirect_dma semaphore(%arg17 : memref<!tpu.dma_semaphore, #tpu.memory_space<semaphore_mem>>) src(%dma_wait3A_135 : memref<1000x512xf32, #tpu.memory_space<hbm>>) dst(%arg11 : memref<32x512xf32, #tpu.memory_space<vmem>>)
    %add3A_136 = arith.constant 160 : i32
    %add3A_137 = arith.addi %mul3A_2, %add3A_136 : i32
    %dma_start3A_138 = arith.constant 0 : i32
    %dma_start3A_139 = tpu.memref_slice %arg4[%add3A_137, %dma_start3A_138] : memref<16384x512xf32, #tpu.memory_space<hbm>> -> memref<32x512xf32, #tpu.memory_space<hbm>>
    %dma_start3A_140 = arith.constant 0 : i32
    %dma_start3A_141 = tpu.memref_slice %arg4[%add3A_137, %dma_start3A_140] : memref<16384x512xf32, #tpu.memory_space<hbm>> -> memref<32x512xf32, #tpu.memory_space<hbm>>
    tpu.enqueue_dma source(%arg11 : memref<32x512xf32, #tpu.memory_space<vmem>>) target(%dma_start3A_141 : memref<32x512xf32, #tpu.memory_space<hbm>>) target_semaphore(%arg23 : memref<!tpu.dma_semaphore, #tpu.memory_space<semaphore_mem>>)
    %dma_wait3A_142 = arith.constant 0 : i32
    %dma_wait3A_143 = tpu.memref_slice %arg4[%add3A_137, %dma_wait3A_142] : memref<16384x512xf32, #tpu.memory_space<hbm>> -> memref<32x512xf32, #tpu.memory_space<hbm>>
    %dma_wait3A_144 = arith.constant 0 : i32
    %dma_wait3A_145 = tpu.memref_slice %arg4[%add3A_137, %dma_wait3A_144] : memref<16384x512xf32, #tpu.memory_space<hbm>> -> memref<32x512xf32, #tpu.memory_space<hbm>>
    tpu.wait_dma2 semaphore(%arg23 : memref<!tpu.dma_semaphore, #tpu.memory_space<semaphore_mem>>) src(%arg11 : memref<32x512xf32, #tpu.memory_space<vmem>>) dst(%dma_wait3A_145 : memref<32x512xf32, #tpu.memory_space<hbm>>)
    %dma_start3A_146 = arith.constant 352 : i32
    %dma_start3A_147 = tpu.memref_slice %arg5[%dma_start3A_146] : memref<512xi32, #tpu.memory_space<vmem>> -> memref<32xi32, #tpu.memory_space<vmem>>
    %dma_start3A_148 = arith.constant 0 : i32
    %dma_start3A_149 = arith.constant 0 : i32
    %dma_start3A_150 = tpu.memref_slice %arg2[%dma_start3A_148, %dma_start3A_149] : memref<1000x512xf32, #tpu.memory_space<hbm>> -> memref<1000x512xf32, #tpu.memory_space<hbm>>
    tpu.enqueue_indirect_dma source(%dma_start3A_150 : memref<1000x512xf32, #tpu.memory_space<hbm>>) target(%arg11 : memref<32x512xf32, #tpu.memory_space<vmem>>) offsets(%dma_start3A_147 : memref<32xi32, #tpu.memory_space<vmem>>) semaphore(%arg17 : memref<!tpu.dma_semaphore, #tpu.memory_space<semaphore_mem>>)
    %dma_wait3A_151 = arith.constant 192 : i32
    %dma_wait3A_152 = tpu.memref_slice %arg5[%dma_wait3A_151] : memref<512xi32, #tpu.memory_space<vmem>> -> memref<32xi32, #tpu.memory_space<vmem>>
    %dma_wait3A_153 = arith.constant 0 : i32
    %dma_wait3A_154 = arith.constant 0 : i32
    %dma_wait3A_155 = tpu.memref_slice %arg2[%dma_wait3A_153, %dma_wait3A_154] : memref<1000x512xf32, #tpu.memory_space<hbm>> -> memref<1000x512xf32, #tpu.memory_space<hbm>>
    tpu.wait_indirect_dma semaphore(%arg12 : memref<!tpu.dma_semaphore, #tpu.memory_space<semaphore_mem>>) src(%dma_wait3A_155 : memref<1000x512xf32, #tpu.memory_space<hbm>>) dst(%arg6 : memref<32x512xf32, #tpu.memory_space<vmem>>)
    %add3A_156 = arith.constant 192 : i32
    %add3A_157 = arith.addi %mul3A_2, %add3A_156 : i32
    %dma_start3A_158 = arith.constant 0 : i32
    %dma_start3A_159 = tpu.memref_slice %arg4[%add3A_157, %dma_start3A_158] : memref<16384x512xf32, #tpu.memory_space<hbm>> -> memref<32x512xf32, #tpu.memory_space<hbm>>
    %dma_start3A_160 = arith.constant 0 : i32
    %dma_start3A_161 = tpu.memref_slice %arg4[%add3A_157, %dma_start3A_160] : memref<16384x512xf32, #tpu.memory_space<hbm>> -> memref<32x512xf32, #tpu.memory_space<hbm>>
    tpu.enqueue_dma source(%arg6 : memref<32x512xf32, #tpu.memory_space<vmem>>) target(%dma_start3A_161 : memref<32x512xf32, #tpu.memory_space<hbm>>) target_semaphore(%arg18 : memref<!tpu.dma_semaphore, #tpu.memory_space<semaphore_mem>>)
    %dma_wait3A_162 = arith.constant 0 : i32
    %dma_wait3A_163 = tpu.memref_slice %arg4[%add3A_157, %dma_wait3A_162] : memref<16384x512xf32, #tpu.memory_space<hbm>> -> memref<32x512xf32, #tpu.memory_space<hbm>>
    %dma_wait3A_164 = arith.constant 0 : i32
    %dma_wait3A_165 = tpu.memref_slice %arg4[%add3A_157, %dma_wait3A_164] : memref<16384x512xf32, #tpu.memory_space<hbm>> -> memref<32x512xf32, #tpu.memory_space<hbm>>
    tpu.wait_dma2 semaphore(%arg18 : memref<!tpu.dma_semaphore, #tpu.memory_space<semaphore_mem>>) src(%arg6 : memref<32x512xf32, #tpu.memory_space<vmem>>) dst(%dma_wait3A_165 : memref<32x512xf32, #tpu.memory_space<hbm>>)
    %dma_start3A_166 = arith.constant 384 : i32
    %dma_start3A_167 = tpu.memref_slice %arg5[%dma_start3A_166] : memref<512xi32, #tpu.memory_space<vmem>> -> memref<32xi32, #tpu.memory_space<vmem>>
    %dma_start3A_168 = arith.constant 0 : i32
    %dma_start3A_169 = arith.constant 0 : i32
    %dma_start3A_170 = tpu.memref_slice %arg2[%dma_start3A_168, %dma_start3A_169] : memref<1000x512xf32, #tpu.memory_space<hbm>> -> memref<1000x512xf32, #tpu.memory_space<hbm>>
    tpu.enqueue_indirect_dma source(%dma_start3A_170 : memref<1000x512xf32, #tpu.memory_space<hbm>>) target(%arg6 : memref<32x512xf32, #tpu.memory_space<vmem>>) offsets(%dma_start3A_167 : memref<32xi32, #tpu.memory_space<vmem>>) semaphore(%arg12 : memref<!tpu.dma_semaphore, #tpu.memory_space<semaphore_mem>>)
    %dma_wait3A_171 = arith.constant 224 : i32
    %dma_wait3A_172 = tpu.memref_slice %arg5[%dma_wait3A_171] : memref<512xi32, #tpu.memory_space<vmem>> -> memref<32xi32, #tpu.memory_space<vmem>>
    %dma_wait3A_173 = arith.constant 0 : i32
    %dma_wait3A_174 = arith.constant 0 : i32
    %dma_wait3A_175 = tpu.memref_slice %arg2[%dma_wait3A_173, %dma_wait3A_174] : memref<1000x512xf32, #tpu.memory_space<hbm>> -> memref<1000x512xf32, #tpu.memory_space<hbm>>
    tpu.wait_indirect_dma semaphore(%arg13 : memref<!tpu.dma_semaphore, #tpu.memory_space<semaphore_mem>>) src(%dma_wait3A_175 : memref<1000x512xf32, #tpu.memory_space<hbm>>) dst(%arg7 : memref<32x512xf32, #tpu.memory_space<vmem>>)
    %add3A_176 = arith.constant 224 : i32
    %add3A_177 = arith.addi %mul3A_2, %add3A_176 : i32
    %dma_start3A_178 = arith.constant 0 : i32
    %dma_start3A_179 = tpu.memref_slice %arg4[%add3A_177, %dma_start3A_178] : memref<16384x512xf32, #tpu.memory_space<hbm>> -> memref<32x512xf32, #tpu.memory_space<hbm>>
    %dma_start3A_180 = arith.constant 0 : i32
    %dma_start3A_181 = tpu.memref_slice %arg4[%add3A_177, %dma_start3A_180] : memref<16384x512xf32, #tpu.memory_space<hbm>> -> memref<32x512xf32, #tpu.memory_space<hbm>>
    tpu.enqueue_dma source(%arg7 : memref<32x512xf32, #tpu.memory_space<vmem>>) target(%dma_start3A_181 : memref<32x512xf32, #tpu.memory_space<hbm>>) target_semaphore(%arg19 : memref<!tpu.dma_semaphore, #tpu.memory_space<semaphore_mem>>)
    %dma_wait3A_182 = arith.constant 0 : i32
    %dma_wait3A_183 = tpu.memref_slice %arg4[%add3A_177, %dma_wait3A_182] : memref<16384x512xf32, #tpu.memory_space<hbm>> -> memref<32x512xf32, #tpu.memory_space<hbm>>
    %dma_wait3A_184 = arith.constant 0 : i32
    %dma_wait3A_185 = tpu.memref_slice %arg4[%add3A_177, %dma_wait3A_184] : memref<16384x512xf32, #tpu.memory_space<hbm>> -> memref<32x512xf32, #tpu.memory_space<hbm>>
    tpu.wait_dma2 semaphore(%arg19 : memref<!tpu.dma_semaphore, #tpu.memory_space<semaphore_mem>>) src(%arg7 : memref<32x512xf32, #tpu.memory_space<vmem>>) dst(%dma_wait3A_185 : memref<32x512xf32, #tpu.memory_space<hbm>>)
    %dma_start3A_186 = arith.constant 416 : i32
    %dma_start3A_187 = tpu.memref_slice %arg5[%dma_start3A_186] : memref<512xi32, #tpu.memory_space<vmem>> -> memref<32xi32, #tpu.memory_space<vmem>>
    %dma_start3A_188 = arith.constant 0 : i32
    %dma_start3A_189 = arith.constant 0 : i32
    %dma_start3A_190 = tpu.memref_slice %arg2[%dma_start3A_188, %dma_start3A_189] : memref<1000x512xf32, #tpu.memory_space<hbm>> -> memref<1000x512xf32, #tpu.memory_space<hbm>>
    tpu.enqueue_indirect_dma source(%dma_start3A_190 : memref<1000x512xf32, #tpu.memory_space<hbm>>) target(%arg7 : memref<32x512xf32, #tpu.memory_space<vmem>>) offsets(%dma_start3A_187 : memref<32xi32, #tpu.memory_space<vmem>>) semaphore(%arg13 : memref<!tpu.dma_semaphore, #tpu.memory_space<semaphore_mem>>)
    %dma_wait3A_191 = arith.constant 256 : i32
    %dma_wait3A_192 = tpu.memref_slice %arg5[%dma_wait3A_191] : memref<512xi32, #tpu.memory_space<vmem>> -> memref<32xi32, #tpu.memory_space<vmem>>
    %dma_wait3A_193 = arith.constant 0 : i32
    %dma_wait3A_194 = arith.constant 0 : i32
    %dma_wait3A_195 = tpu.memref_slice %arg2[%dma_wait3A_193, %dma_wait3A_194] : memref<1000x512xf32, #tpu.memory_space<hbm>> -> memref<1000x512xf32, #tpu.memory_space<hbm>>
    tpu.wait_indirect_dma semaphore(%arg14 : memref<!tpu.dma_semaphore, #tpu.memory_space<semaphore_mem>>) src(%dma_wait3A_195 : memref<1000x512xf32, #tpu.memory_space<hbm>>) dst(%arg8 : memref<32x512xf32, #tpu.memory_space<vmem>>)
    %add3A_196 = arith.constant 256 : i32
    %add3A_197 = arith.addi %mul3A_2, %add3A_196 : i32
    %dma_start3A_198 = arith.constant 0 : i32
    %dma_start3A_199 = tpu.memref_slice %arg4[%add3A_197, %dma_start3A_198] : memref<16384x512xf32, #tpu.memory_space<hbm>> -> memref<32x512xf32, #tpu.memory_space<hbm>>
    %dma_start3A_200 = arith.constant 0 : i32
    %dma_start3A_201 = tpu.memref_slice %arg4[%add3A_197, %dma_start3A_200] : memref<16384x512xf32, #tpu.memory_space<hbm>> -> memref<32x512xf32, #tpu.memory_space<hbm>>
    tpu.enqueue_dma source(%arg8 : memref<32x512xf32, #tpu.memory_space<vmem>>) target(%dma_start3A_201 : memref<32x512xf32, #tpu.memory_space<hbm>>) target_semaphore(%arg20 : memref<!tpu.dma_semaphore, #tpu.memory_space<semaphore_mem>>)
    %dma_wait3A_202 = arith.constant 0 : i32
    %dma_wait3A_203 = tpu.memref_slice %arg4[%add3A_197, %dma_wait3A_202] : memref<16384x512xf32, #tpu.memory_space<hbm>> -> memref<32x512xf32, #tpu.memory_space<hbm>>
    %dma_wait3A_204 = arith.constant 0 : i32
    %dma_wait3A_205 = tpu.memref_slice %arg4[%add3A_197, %dma_wait3A_204] : memref<16384x512xf32, #tpu.memory_space<hbm>> -> memref<32x512xf32, #tpu.memory_space<hbm>>
    tpu.wait_dma2 semaphore(%arg20 : memref<!tpu.dma_semaphore, #tpu.memory_space<semaphore_mem>>) src(%arg8 : memref<32x512xf32, #tpu.memory_space<vmem>>) dst(%dma_wait3A_205 : memref<32x512xf32, #tpu.memory_space<hbm>>)
    %dma_start3A_206 = arith.constant 448 : i32
    %dma_start3A_207 = tpu.memref_slice %arg5[%dma_start3A_206] : memref<512xi32, #tpu.memory_space<vmem>> -> memref<32xi32, #tpu.memory_space<vmem>>
    %dma_start3A_208 = arith.constant 0 : i32
    %dma_start3A_209 = arith.constant 0 : i32
    %dma_start3A_210 = tpu.memref_slice %arg2[%dma_start3A_208, %dma_start3A_209] : memref<1000x512xf32, #tpu.memory_space<hbm>> -> memref<1000x512xf32, #tpu.memory_space<hbm>>
    tpu.enqueue_indirect_dma source(%dma_start3A_210 : memref<1000x512xf32, #tpu.memory_space<hbm>>) target(%arg8 : memref<32x512xf32, #tpu.memory_space<vmem>>) offsets(%dma_start3A_207 : memref<32xi32, #tpu.memory_space<vmem>>) semaphore(%arg14 : memref<!tpu.dma_semaphore, #tpu.memory_space<semaphore_mem>>)
    %dma_wait3A_211 = arith.constant 288 : i32
    %dma_wait3A_212 = tpu.memref_slice %arg5[%dma_wait3A_211] : memref<512xi32, #tpu.memory_space<vmem>> -> memref<32xi32, #tpu.memory_space<vmem>>
    %dma_wait3A_213 = arith.constant 0 : i32
    %dma_wait3A_214 = arith.constant 0 : i32
    %dma_wait3A_215 = tpu.memref_slice %arg2[%dma_wait3A_213, %dma_wait3A_214] : memref<1000x512xf32, #tpu.memory_space<hbm>> -> memref<1000x512xf32, #tpu.memory_space<hbm>>
    tpu.wait_indirect_dma semaphore(%arg15 : memref<!tpu.dma_semaphore, #tpu.memory_space<semaphore_mem>>) src(%dma_wait3A_215 : memref<1000x512xf32, #tpu.memory_space<hbm>>) dst(%arg9 : memref<32x512xf32, #tpu.memory_space<vmem>>)
    %add3A_216 = arith.constant 288 : i32
    %add3A_217 = arith.addi %mul3A_2, %add3A_216 : i32
    %dma_start3A_218 = arith.constant 0 : i32
    %dma_start3A_219 = tpu.memref_slice %arg4[%add3A_217, %dma_start3A_218] : memref<16384x512xf32, #tpu.memory_space<hbm>> -> memref<32x512xf32, #tpu.memory_space<hbm>>
    %dma_start3A_220 = arith.constant 0 : i32
    %dma_start3A_221 = tpu.memref_slice %arg4[%add3A_217, %dma_start3A_220] : memref<16384x512xf32, #tpu.memory_space<hbm>> -> memref<32x512xf32, #tpu.memory_space<hbm>>
    tpu.enqueue_dma source(%arg9 : memref<32x512xf32, #tpu.memory_space<vmem>>) target(%dma_start3A_221 : memref<32x512xf32, #tpu.memory_space<hbm>>) target_semaphore(%arg21 : memref<!tpu.dma_semaphore, #tpu.memory_space<semaphore_mem>>)
    %dma_wait3A_222 = arith.constant 0 : i32
    %dma_wait3A_223 = tpu.memref_slice %arg4[%add3A_217, %dma_wait3A_222] : memref<16384x512xf32, #tpu.memory_space<hbm>> -> memref<32x512xf32, #tpu.memory_space<hbm>>
    %dma_wait3A_224 = arith.constant 0 : i32
    %dma_wait3A_225 = tpu.memref_slice %arg4[%add3A_217, %dma_wait3A_224] : memref<16384x512xf32, #tpu.memory_space<hbm>> -> memref<32x512xf32, #tpu.memory_space<hbm>>
    tpu.wait_dma2 semaphore(%arg21 : memref<!tpu.dma_semaphore, #tpu.memory_space<semaphore_mem>>) src(%arg9 : memref<32x512xf32, #tpu.memory_space<vmem>>) dst(%dma_wait3A_225 : memref<32x512xf32, #tpu.memory_space<hbm>>)
    %dma_start3A_226 = arith.constant 480 : i32
    %dma_start3A_227 = tpu.memref_slice %arg5[%dma_start3A_226] : memref<512xi32, #tpu.memory_space<vmem>> -> memref<32xi32, #tpu.memory_space<vmem>>
    %dma_start3A_228 = arith.constant 0 : i32
    %dma_start3A_229 = arith.constant 0 : i32
    %dma_start3A_230 = tpu.memref_slice %arg2[%dma_start3A_228, %dma_start3A_229] : memref<1000x512xf32, #tpu.memory_space<hbm>> -> memref<1000x512xf32, #tpu.memory_space<hbm>>
    tpu.enqueue_indirect_dma source(%dma_start3A_230 : memref<1000x512xf32, #tpu.memory_space<hbm>>) target(%arg9 : memref<32x512xf32, #tpu.memory_space<vmem>>) offsets(%dma_start3A_227 : memref<32xi32, #tpu.memory_space<vmem>>) semaphore(%arg15 : memref<!tpu.dma_semaphore, #tpu.memory_space<semaphore_mem>>)
    %dma_wait3A_231 = arith.constant 320 : i32
    %dma_wait3A_232 = tpu.memref_slice %arg5[%dma_wait3A_231] : memref<512xi32, #tpu.memory_space<vmem>> -> memref<32xi32, #tpu.memory_space<vmem>>
    %dma_wait3A_233 = arith.constant 0 : i32
    %dma_wait3A_234 = arith.constant 0 : i32
    %dma_wait3A_235 = tpu.memref_slice %arg2[%dma_wait3A_233, %dma_wait3A_234] : memref<1000x512xf32, #tpu.memory_space<hbm>> -> memref<1000x512xf32, #tpu.memory_space<hbm>>
    tpu.wait_indirect_dma semaphore(%arg16 : memref<!tpu.dma_semaphore, #tpu.memory_space<semaphore_mem>>) src(%dma_wait3A_235 : memref<1000x512xf32, #tpu.memory_space<hbm>>) dst(%arg10 : memref<32x512xf32, #tpu.memory_space<vmem>>)
    %add3A_236 = arith.constant 320 : i32
    %add3A_237 = arith.addi %mul3A_2, %add3A_236 : i32
    %dma_start3A_238 = arith.constant 0 : i32
    %dma_start3A_239 = tpu.memref_slice %arg4[%add3A_237, %dma_start3A_238] : memref<16384x512xf32, #tpu.memory_space<hbm>> -> memref<32x512xf32, #tpu.memory_space<hbm>>
    %dma_start3A_240 = arith.constant 0 : i32
    %dma_start3A_241 = tpu.memref_slice %arg4[%add3A_237, %dma_start3A_240] : memref<16384x512xf32, #tpu.memory_space<hbm>> -> memref<32x512xf32, #tpu.memory_space<hbm>>
    tpu.enqueue_dma source(%arg10 : memref<32x512xf32, #tpu.memory_space<vmem>>) target(%dma_start3A_241 : memref<32x512xf32, #tpu.memory_space<hbm>>) target_semaphore(%arg22 : memref<!tpu.dma_semaphore, #tpu.memory_space<semaphore_mem>>)
    %dma_wait3A_242 = arith.constant 352 : i32
    %dma_wait3A_243 = tpu.memref_slice %arg5[%dma_wait3A_242] : memref<512xi32, #tpu.memory_space<vmem>> -> memref<32xi32, #tpu.memory_space<vmem>>
    %dma_wait3A_244 = arith.constant 0 : i32
    %dma_wait3A_245 = arith.constant 0 : i32
    %dma_wait3A_246 = tpu.memref_slice %arg2[%dma_wait3A_244, %dma_wait3A_245] : memref<1000x512xf32, #tpu.memory_space<hbm>> -> memref<1000x512xf32, #tpu.memory_space<hbm>>
    tpu.wait_indirect_dma semaphore(%arg17 : memref<!tpu.dma_semaphore, #tpu.memory_space<semaphore_mem>>) src(%dma_wait3A_246 : memref<1000x512xf32, #tpu.memory_space<hbm>>) dst(%arg11 : memref<32x512xf32, #tpu.memory_space<vmem>>)
    %add3A_247 = arith.constant 352 : i32
    %add3A_248 = arith.addi %mul3A_2, %add3A_247 : i32
    %dma_start3A_249 = arith.constant 0 : i32
    %dma_start3A_250 = tpu.memref_slice %arg4[%add3A_248, %dma_start3A_249] : memref<16384x512xf32, #tpu.memory_space<hbm>> -> memref<32x512xf32, #tpu.memory_space<hbm>>
    %dma_start3A_251 = arith.constant 0 : i32
    %dma_start3A_252 = tpu.memref_slice %arg4[%add3A_248, %dma_start3A_251] : memref<16384x512xf32, #tpu.memory_space<hbm>> -> memref<32x512xf32, #tpu.memory_space<hbm>>
    tpu.enqueue_dma source(%arg11 : memref<32x512xf32, #tpu.memory_space<vmem>>) target(%dma_start3A_252 : memref<32x512xf32, #tpu.memory_space<hbm>>) target_semaphore(%arg23 : memref<!tpu.dma_semaphore, #tpu.memory_space<semaphore_mem>>)
    %dma_wait3A_253 = arith.constant 384 : i32
    %dma_wait3A_254 = tpu.memref_slice %arg5[%dma_wait3A_253] : memref<512xi32, #tpu.memory_space<vmem>> -> memref<32xi32, #tpu.memory_space<vmem>>
    %dma_wait3A_255 = arith.constant 0 : i32
    %dma_wait3A_256 = arith.constant 0 : i32
    %dma_wait3A_257 = tpu.memref_slice %arg2[%dma_wait3A_255, %dma_wait3A_256] : memref<1000x512xf32, #tpu.memory_space<hbm>> -> memref<1000x512xf32, #tpu.memory_space<hbm>>
    tpu.wait_indirect_dma semaphore(%arg12 : memref<!tpu.dma_semaphore, #tpu.memory_space<semaphore_mem>>) src(%dma_wait3A_257 : memref<1000x512xf32, #tpu.memory_space<hbm>>) dst(%arg6 : memref<32x512xf32, #tpu.memory_space<vmem>>)
    %add3A_258 = arith.constant 384 : i32
    %add3A_259 = arith.addi %mul3A_2, %add3A_258 : i32
    %dma_start3A_260 = arith.constant 0 : i32
    %dma_start3A_261 = tpu.memref_slice %arg4[%add3A_259, %dma_start3A_260] : memref<16384x512xf32, #tpu.memory_space<hbm>> -> memref<32x512xf32, #tpu.memory_space<hbm>>
    %dma_start3A_262 = arith.constant 0 : i32
    %dma_start3A_263 = tpu.memref_slice %arg4[%add3A_259, %dma_start3A_262] : memref<16384x512xf32, #tpu.memory_space<hbm>> -> memref<32x512xf32, #tpu.memory_space<hbm>>
    tpu.enqueue_dma source(%arg6 : memref<32x512xf32, #tpu.memory_space<vmem>>) target(%dma_start3A_263 : memref<32x512xf32, #tpu.memory_space<hbm>>) target_semaphore(%arg18 : memref<!tpu.dma_semaphore, #tpu.memory_space<semaphore_mem>>)
    %dma_wait3A_264 = arith.constant 416 : i32
    %dma_wait3A_265 = tpu.memref_slice %arg5[%dma_wait3A_264] : memref<512xi32, #tpu.memory_space<vmem>> -> memref<32xi32, #tpu.memory_space<vmem>>
    %dma_wait3A_266 = arith.constant 0 : i32
    %dma_wait3A_267 = arith.constant 0 : i32
    %dma_wait3A_268 = tpu.memref_slice %arg2[%dma_wait3A_266, %dma_wait3A_267] : memref<1000x512xf32, #tpu.memory_space<hbm>> -> memref<1000x512xf32, #tpu.memory_space<hbm>>
    tpu.wait_indirect_dma semaphore(%arg13 : memref<!tpu.dma_semaphore, #tpu.memory_space<semaphore_mem>>) src(%dma_wait3A_268 : memref<1000x512xf32, #tpu.memory_space<hbm>>) dst(%arg7 : memref<32x512xf32, #tpu.memory_space<vmem>>)
    %add3A_269 = arith.constant 416 : i32
    %add3A_270 = arith.addi %mul3A_2, %add3A_269 : i32
    %dma_start3A_271 = arith.constant 0 : i32
    %dma_start3A_272 = tpu.memref_slice %arg4[%add3A_270, %dma_start3A_271] : memref<16384x512xf32, #tpu.memory_space<hbm>> -> memref<32x512xf32, #tpu.memory_space<hbm>>
    %dma_start3A_273 = arith.constant 0 : i32
    %dma_start3A_274 = tpu.memref_slice %arg4[%add3A_270, %dma_start3A_273] : memref<16384x512xf32, #tpu.memory_space<hbm>> -> memref<32x512xf32, #tpu.memory_space<hbm>>
    tpu.enqueue_dma source(%arg7 : memref<32x512xf32, #tpu.memory_space<vmem>>) target(%dma_start3A_274 : memref<32x512xf32, #tpu.memory_space<hbm>>) target_semaphore(%arg19 : memref<!tpu.dma_semaphore, #tpu.memory_space<semaphore_mem>>)
    %dma_wait3A_275 = arith.constant 448 : i32
    %dma_wait3A_276 = tpu.memref_slice %arg5[%dma_wait3A_275] : memref<512xi32, #tpu.memory_space<vmem>> -> memref<32xi32, #tpu.memory_space<vmem>>
    %dma_wait3A_277 = arith.constant 0 : i32
    %dma_wait3A_278 = arith.constant 0 : i32
    %dma_wait3A_279 = tpu.memref_slice %arg2[%dma_wait3A_277, %dma_wait3A_278] : memref<1000x512xf32, #tpu.memory_space<hbm>> -> memref<1000x512xf32, #tpu.memory_space<hbm>>
    tpu.wait_indirect_dma semaphore(%arg14 : memref<!tpu.dma_semaphore, #tpu.memory_space<semaphore_mem>>) src(%dma_wait3A_279 : memref<1000x512xf32, #tpu.memory_space<hbm>>) dst(%arg8 : memref<32x512xf32, #tpu.memory_space<vmem>>)
    %add3A_280 = arith.constant 448 : i32
    %add3A_281 = arith.addi %mul3A_2, %add3A_280 : i32
    %dma_start3A_282 = arith.constant 0 : i32
    %dma_start3A_283 = tpu.memref_slice %arg4[%add3A_281, %dma_start3A_282] : memref<16384x512xf32, #tpu.memory_space<hbm>> -> memref<32x512xf32, #tpu.memory_space<hbm>>
    %dma_start3A_284 = arith.constant 0 : i32
    %dma_start3A_285 = tpu.memref_slice %arg4[%add3A_281, %dma_start3A_284] : memref<16384x512xf32, #tpu.memory_space<hbm>> -> memref<32x512xf32, #tpu.memory_space<hbm>>
    tpu.enqueue_dma source(%arg8 : memref<32x512xf32, #tpu.memory_space<vmem>>) target(%dma_start3A_285 : memref<32x512xf32, #tpu.memory_space<hbm>>) target_semaphore(%arg20 : memref<!tpu.dma_semaphore, #tpu.memory_space<semaphore_mem>>)
    %dma_wait3A_286 = arith.constant 480 : i32
    %dma_wait3A_287 = tpu.memref_slice %arg5[%dma_wait3A_286] : memref<512xi32, #tpu.memory_space<vmem>> -> memref<32xi32, #tpu.memory_space<vmem>>
    %dma_wait3A_288 = arith.constant 0 : i32
    %dma_wait3A_289 = arith.constant 0 : i32
    %dma_wait3A_290 = tpu.memref_slice %arg2[%dma_wait3A_288, %dma_wait3A_289] : memref<1000x512xf32, #tpu.memory_space<hbm>> -> memref<1000x512xf32, #tpu.memory_space<hbm>>
    tpu.wait_indirect_dma semaphore(%arg15 : memref<!tpu.dma_semaphore, #tpu.memory_space<semaphore_mem>>) src(%dma_wait3A_290 : memref<1000x512xf32, #tpu.memory_space<hbm>>) dst(%arg9 : memref<32x512xf32, #tpu.memory_space<vmem>>)
    %add3A_291 = arith.constant 480 : i32
    %add3A_292 = arith.addi %mul3A_2, %add3A_291 : i32
    %dma_start3A_293 = arith.constant 0 : i32
    %dma_start3A_294 = tpu.memref_slice %arg4[%add3A_292, %dma_start3A_293] : memref<16384x512xf32, #tpu.memory_space<hbm>> -> memref<32x512xf32, #tpu.memory_space<hbm>>
    %dma_start3A_295 = arith.constant 0 : i32
    %dma_start3A_296 = tpu.memref_slice %arg4[%add3A_292, %dma_start3A_295] : memref<16384x512xf32, #tpu.memory_space<hbm>> -> memref<32x512xf32, #tpu.memory_space<hbm>>
    tpu.enqueue_dma source(%arg9 : memref<32x512xf32, #tpu.memory_space<vmem>>) target(%dma_start3A_296 : memref<32x512xf32, #tpu.memory_space<hbm>>) target_semaphore(%arg21 : memref<!tpu.dma_semaphore, #tpu.memory_space<semaphore_mem>>)
    %dma_wait3A_297 = arith.constant 0 : i32
    %dma_wait3A_298 = tpu.memref_slice %arg4[%add3A_237, %dma_wait3A_297] : memref<16384x512xf32, #tpu.memory_space<hbm>> -> memref<32x512xf32, #tpu.memory_space<hbm>>
    %dma_wait3A_299 = arith.constant 0 : i32
    %dma_wait3A_300 = tpu.memref_slice %arg4[%add3A_237, %dma_wait3A_299] : memref<16384x512xf32, #tpu.memory_space<hbm>> -> memref<32x512xf32, #tpu.memory_space<hbm>>
    tpu.wait_dma2 semaphore(%arg22 : memref<!tpu.dma_semaphore, #tpu.memory_space<semaphore_mem>>) src(%arg10 : memref<32x512xf32, #tpu.memory_space<vmem>>) dst(%dma_wait3A_300 : memref<32x512xf32, #tpu.memory_space<hbm>>)
    %dma_wait3A_301 = arith.constant 0 : i32
    %dma_wait3A_302 = tpu.memref_slice %arg4[%add3A_248, %dma_wait3A_301] : memref<16384x512xf32, #tpu.memory_space<hbm>> -> memref<32x512xf32, #tpu.memory_space<hbm>>
    %dma_wait3A_303 = arith.constant 0 : i32
    %dma_wait3A_304 = tpu.memref_slice %arg4[%add3A_248, %dma_wait3A_303] : memref<16384x512xf32, #tpu.memory_space<hbm>> -> memref<32x512xf32, #tpu.memory_space<hbm>>
    tpu.wait_dma2 semaphore(%arg23 : memref<!tpu.dma_semaphore, #tpu.memory_space<semaphore_mem>>) src(%arg11 : memref<32x512xf32, #tpu.memory_space<vmem>>) dst(%dma_wait3A_304 : memref<32x512xf32, #tpu.memory_space<hbm>>)
    %dma_wait3A_305 = arith.constant 0 : i32
    %dma_wait3A_306 = tpu.memref_slice %arg4[%add3A_259, %dma_wait3A_305] : memref<16384x512xf32, #tpu.memory_space<hbm>> -> memref<32x512xf32, #tpu.memory_space<hbm>>
    %dma_wait3A_307 = arith.constant 0 : i32
    %dma_wait3A_308 = tpu.memref_slice %arg4[%add3A_259, %dma_wait3A_307] : memref<16384x512xf32, #tpu.memory_space<hbm>> -> memref<32x512xf32, #tpu.memory_space<hbm>>
    tpu.wait_dma2 semaphore(%arg18 : memref<!tpu.dma_semaphore, #tpu.memory_space<semaphore_mem>>) src(%arg6 : memref<32x512xf32, #tpu.memory_space<vmem>>) dst(%dma_wait3A_308 : memref<32x512xf32, #tpu.memory_space<hbm>>)
    %dma_wait3A_309 = arith.constant 0 : i32
    %dma_wait3A_310 = tpu.memref_slice %arg4[%add3A_270, %dma_wait3A_309] : memref<16384x512xf32, #tpu.memory_space<hbm>> -> memref<32x512xf32, #tpu.memory_space<hbm>>
    %dma_wait3A_311 = arith.constant 0 : i32
    %dma_wait3A_312 = tpu.memref_slice %arg4[%add3A_270, %dma_wait3A_311] : memref<16384x512xf32, #tpu.memory_space<hbm>> -> memref<32x512xf32, #tpu.memory_space<hbm>>
    tpu.wait_dma2 semaphore(%arg19 : memref<!tpu.dma_semaphore, #tpu.memory_space<semaphore_mem>>) src(%arg7 : memref<32x512xf32, #tpu.memory_space<vmem>>) dst(%dma_wait3A_312 : memref<32x512xf32, #tpu.memory_space<hbm>>)
    %dma_wait3A_313 = arith.constant 0 : i32
    %dma_wait3A_314 = tpu.memref_slice %arg4[%add3A_281, %dma_wait3A_313] : memref<16384x512xf32, #tpu.memory_space<hbm>> -> memref<32x512xf32, #tpu.memory_space<hbm>>
    %dma_wait3A_315 = arith.constant 0 : i32
    %dma_wait3A_316 = tpu.memref_slice %arg4[%add3A_281, %dma_wait3A_315] : memref<16384x512xf32, #tpu.memory_space<hbm>> -> memref<32x512xf32, #tpu.memory_space<hbm>>
    tpu.wait_dma2 semaphore(%arg20 : memref<!tpu.dma_semaphore, #tpu.memory_space<semaphore_mem>>) src(%arg8 : memref<32x512xf32, #tpu.memory_space<vmem>>) dst(%dma_wait3A_316 : memref<32x512xf32, #tpu.memory_space<hbm>>)
    %dma_wait3A_317 = arith.constant 0 : i32
    %dma_wait3A_318 = tpu.memref_slice %arg4[%add3A_292, %dma_wait3A_317] : memref<16384x512xf32, #tpu.memory_space<hbm>> -> memref<32x512xf32, #tpu.memory_space<hbm>>
    %dma_wait3A_319 = arith.constant 0 : i32
    %dma_wait3A_320 = tpu.memref_slice %arg4[%add3A_292, %dma_wait3A_319] : memref<16384x512xf32, #tpu.memory_space<hbm>> -> memref<32x512xf32, #tpu.memory_space<hbm>>
    tpu.wait_dma2 semaphore(%arg21 : memref<!tpu.dma_semaphore, #tpu.memory_space<semaphore_mem>>) src(%arg9 : memref<32x512xf32, #tpu.memory_space<vmem>>) dst(%dma_wait3A_320 : memref<32x512xf32, #tpu.memory_space<hbm>>)
    return
  }
}

module attributes {stable_mosaic.version = 14 : i64} {
  func.func @_norm_body(%arg0: memref<1000x512xf32, #tpu.memory_space<vmem>>, %arg1: memref<1000x512xf32, #tpu.memory_space<vmem>>) attributes {dimension_semantics = [], scalar_prefetch = 0 : i64, scratch_operands = 0 : i64, tpu.core_type = #tpu.core_type<tc>} {
    %get3A = arith.constant 0 : index
    %get3A_0 = arith.constant 0 : index
    %get3A_1 = vector.load %arg0[%get3A, %get3A_0] : memref<1000x512xf32, #tpu.memory_space<vmem>>, vector<1000x512xf32>
    %neg3A = arith.constant 0.000000e+00 : f32
    %neg3A_2 = vector.broadcast %neg3A : f32 to vector<1000x512xf32>
    %neg3A_3 = arith.subf %neg3A_2, %get3A_1 : vector<1000x512xf32>
    %exp3A = math.exp %neg3A_3 : vector<1000x512xf32>
    %add3A = arith.constant 1.000000e+00 : f32
    %add3A_4 = vector.broadcast %add3A : f32 to vector<1000x512xf32>
    %add3A_5 = arith.addf %add3A_4, %exp3A : vector<1000x512xf32>
    %div3A = arith.constant 1.000000e+00 : f32
    %div3A_6 = vector.broadcast %div3A : f32 to vector<1000x512xf32>
    %div3A_7 = arith.divf %div3A_6, %add3A_5 : vector<1000x512xf32>
    %iota3A = tpu.iota {dimensions = array<i32: 0>} : vector<512x8xi32>
    %jit3A = arith.constant 64 : i32
    %div3A_8 = vector.broadcast %jit3A : i32 to vector<512x8xi32>
    %div3A_9 = arith.divsi %iota3A, %div3A_8 : vector<512x8xi32>
    %sign3A = arith.constant 0 : i32
    %sign3A_10 = vector.broadcast %sign3A : i32 to vector<512x8xi32>
    %sign3A_11 = arith.cmpi sgt, %iota3A, %sign3A_10 : vector<512x8xi32>
    %sign3A_12 = arith.extui %sign3A_11 : vector<512x8xi1> to vector<512x8xi32>
    %sign3A_13 = arith.constant 0 : i32
    %sign3A_14 = vector.broadcast %sign3A_13 : i32 to vector<512x8xi32>
    %sign3A_15 = arith.cmpi slt, %iota3A, %sign3A_14 : vector<512x8xi32>
    %sign3A_16 = arith.extui %sign3A_15 : vector<512x8xi1> to vector<512x8xi32>
    %sign3A_17 = arith.subi %sign3A_12, %sign3A_16 : vector<512x8xi32>
    %sign3A_18 = arith.constant 0 : i32
    %sign3A_19 = arith.cmpi sgt, %jit3A, %sign3A_18 : i32
    %sign3A_20 = arith.extui %sign3A_19 : i1 to i32
    %sign3A_21 = arith.constant 0 : i32
    %sign3A_22 = arith.cmpi slt, %jit3A, %sign3A_21 : i32
    %sign3A_23 = arith.extui %sign3A_22 : i1 to i32
    %sign3A_24 = arith.subi %sign3A_20, %sign3A_23 : i32
    %ne3A = vector.broadcast %sign3A_24 : i32 to vector<512x8xi32>
    %ne3A_25 = arith.cmpi ne, %sign3A_17, %ne3A : vector<512x8xi32>
    %rem3A = vector.broadcast %jit3A : i32 to vector<512x8xi32>
    %rem3A_26 = arith.remsi %iota3A, %rem3A : vector<512x8xi32>
    %ne3A_27 = arith.constant 0 : i32
    %ne3A_28 = vector.broadcast %ne3A_27 : i32 to vector<512x8xi32>
    %ne3A_29 = arith.cmpi ne, %rem3A_26, %ne3A_28 : vector<512x8xi32>
    %and3A = arith.andi %ne3A_25, %ne3A_29 : vector<512x8xi1>
    %sub3A = arith.constant 1 : i32
    %sub3A_30 = vector.broadcast %sub3A : i32 to vector<512x8xi32>
    %sub3A_31 = arith.subi %div3A_9, %sub3A_30 : vector<512x8xi32>
    %select_n3A = arith.select %and3A, %sub3A_31, %div3A_9 : vector<512x8xi1>, vector<512x8xi32>
    %iota3A_32 = tpu.iota {dimensions = array<i32: 1>} : vector<512x8xi32>
    %eq3A = arith.cmpi eq, %select_n3A, %iota3A_32 : vector<512x8xi32>
    %convert_element_type3A = arith.extui %eq3A : vector<512x8xi1> to vector<512x8xi32>
    %convert_element_type3A_33 = arith.sitofp %convert_element_type3A : vector<512x8xi32> to vector<512x8xf32>
    %dot_general3A = arith.constant dense<0.000000e+00> : vector<1000x8xf32>
    %dot_general3A_34 = tpu.matmul %div3A_7, %convert_element_type3A_33, %dot_general3A {dimension_numbers = #tpu.dot_dimension_numbers<[1], [0], [0], [1], [0, 0, 1, 1], [], []>, transpose_lhs_hint = false} : vector<1000x512xf32>, vector<512x8xf32>, vector<1000x8xf32> -> vector<1000x8xf32>
    %iota3A_35 = tpu.iota {dimensions = array<i32: 1>} : vector<8x512xi32>
    %jit3A_36 = arith.constant 64 : i32
    %div3A_37 = vector.broadcast %jit3A_36 : i32 to vector<8x512xi32>
    %div3A_38 = arith.divsi %iota3A_35, %div3A_37 : vector<8x512xi32>
    %sign3A_39 = arith.constant 0 : i32
    %sign3A_40 = vector.broadcast %sign3A_39 : i32 to vector<8x512xi32>
    %sign3A_41 = arith.cmpi sgt, %iota3A_35, %sign3A_40 : vector<8x512xi32>
    %sign3A_42 = arith.extui %sign3A_41 : vector<8x512xi1> to vector<8x512xi32>
    %sign3A_43 = arith.constant 0 : i32
    %sign3A_44 = vector.broadcast %sign3A_43 : i32 to vector<8x512xi32>
    %sign3A_45 = arith.cmpi slt, %iota3A_35, %sign3A_44 : vector<8x512xi32>
    %sign3A_46 = arith.extui %sign3A_45 : vector<8x512xi1> to vector<8x512xi32>
    %sign3A_47 = arith.subi %sign3A_42, %sign3A_46 : vector<8x512xi32>
    %sign3A_48 = arith.constant 0 : i32
    %sign3A_49 = arith.cmpi sgt, %jit3A_36, %sign3A_48 : i32
    %sign3A_50 = arith.extui %sign3A_49 : i1 to i32
    %sign3A_51 = arith.constant 0 : i32
    %sign3A_52 = arith.cmpi slt, %jit3A_36, %sign3A_51 : i32
    %sign3A_53 = arith.extui %sign3A_52 : i1 to i32
    %sign3A_54 = arith.subi %sign3A_50, %sign3A_53 : i32
    %ne3A_55 = vector.broadcast %sign3A_54 : i32 to vector<8x512xi32>
    %ne3A_56 = arith.cmpi ne, %sign3A_47, %ne3A_55 : vector<8x512xi32>
    %rem3A_57 = vector.broadcast %jit3A_36 : i32 to vector<8x512xi32>
    %rem3A_58 = arith.remsi %iota3A_35, %rem3A_57 : vector<8x512xi32>
    %ne3A_59 = arith.constant 0 : i32
    %ne3A_60 = vector.broadcast %ne3A_59 : i32 to vector<8x512xi32>
    %ne3A_61 = arith.cmpi ne, %rem3A_58, %ne3A_60 : vector<8x512xi32>
    %and3A_62 = arith.andi %ne3A_56, %ne3A_61 : vector<8x512xi1>
    %sub3A_63 = arith.constant 1 : i32
    %sub3A_64 = vector.broadcast %sub3A_63 : i32 to vector<8x512xi32>
    %sub3A_65 = arith.subi %div3A_38, %sub3A_64 : vector<8x512xi32>
    %select_n3A_66 = arith.select %and3A_62, %sub3A_65, %div3A_38 : vector<8x512xi1>, vector<8x512xi32>
    %iota3A_67 = tpu.iota {dimensions = array<i32: 0>} : vector<8x512xi32>
    %eq3A_68 = arith.cmpi eq, %select_n3A_66, %iota3A_67 : vector<8x512xi32>
    %convert_element_type3A_69 = arith.extui %eq3A_68 : vector<8x512xi1> to vector<8x512xi32>
    %convert_element_type3A_70 = arith.sitofp %convert_element_type3A_69 : vector<8x512xi32> to vector<8x512xf32>
    %dot_general3A_71 = arith.constant dense<0.000000e+00> : vector<1000x512xf32>
    %dot_general3A_72 = tpu.matmul %dot_general3A_34, %convert_element_type3A_70, %dot_general3A_71 {dimension_numbers = #tpu.dot_dimension_numbers<[1], [0], [0], [1], [0, 0, 1, 1], [], []>, transpose_lhs_hint = false} : vector<1000x8xf32>, vector<8x512xf32>, vector<1000x512xf32> -> vector<1000x512xf32>
    %add3A_73 = arith.constant 9.99999996E-13 : f32
    %add3A_74 = vector.broadcast %add3A_73 : f32 to vector<1000x512xf32>
    %add3A_75 = arith.addf %dot_general3A_72, %add3A_74 : vector<1000x512xf32>
    %div3A_76 = arith.divf %div3A_7, %add3A_75 : vector<1000x512xf32>
    %swap3A = arith.constant 0 : index
    %swap3A_77 = arith.constant 0 : index
    %swap3A_78 = vector.load %arg1[%swap3A, %swap3A_77] : memref<1000x512xf32, #tpu.memory_space<vmem>>, vector<1000x512xf32>
    tpu.vector_store %arg1[%swap3A, %swap3A_77], %div3A_76 {strides = array<i32>} : memref<1000x512xf32, #tpu.memory_space<vmem>>, vector<1000x512xf32>,
    return
  }
}

</mosaic_0001>

<sc_bundles>
// kernel: kernel.4.cloned.1.call-start
scs
__scs_entry_jumppad:
0x0: {  	(pc) =	sbr.rel $0x88, $3  }
0x1: {  	(tag) =	ssettag $0x0;
	lr =	simm.s32 $0x1  }
0x2: {  	[smem:$0x3F9F] =	sst lr;
	_ =	strace $0xD0000000  }
0x3: {  	_ = 	snop  }
0x4: {  	_ = 	snop  }
0x5: {  	_ = 	snop  }
0x6: {  	_ = 	snop  }
0x7: {  	_ = 	snop  }
__scs_overlays_trampoline_lowered:
0x8: {  	[smem:$0x3FAE] =	sst s0  }
0x9: {  	[smem:$0x3FAF] =	sst s1  }
0xa: {  	[smem:$0x3FB0] =	sst s2  }
0xb: {  	[smem:$0x3FB1] =	sst s3  }
0xc: {  	[smem:$0x3FB2] =	sst s4  }
0xd: {  	[smem:$0x3FB3] =	sst s5  }
0xe: {  	[smem:$0x3FB4] =	sst s6  }
0xf: {  	[smem:$0x3FB5] =	sst s7  }
0x10: {  	[smem:$0x3FB6] =	sst s8  }
0x11: {  	[smem:$0x3FB7] =	sst s9;
	s0 =	simm.s32 @!p0 $0x0  }
0x12: {  	s1 =	sld [smem:$0x3F9D];
	s0 =	simm.s32 @p0 $0x1  }
0x13: {  	[smem:$0x3FB8] =	sst s0;
	s0 =	simm.s32 @!p1 $0x0  }
0x14: {  	s2 =	sld [smem:$0x3F9C];
	s0 =	simm.s32 @p1 $0x1  }
0x15: {  	[smem:$0x3FB9] =	sst s0;
	s0 =	simm.s32 @!p2 $0x0  }
0x16: {  	s3 =	sld [smem:$0x3FDB];
	s0 =	simm.s32 @p2 $0x1  }
0x17: {  	s4 =	simm.s32 $0x1BF5;
	[smem:$0x3FBB] =	sst s0  }
0x18: {  	s0 =	sld [smem:$0x3F9E];
	_ =	swait.ge [sflag:s4], $0x0  }
0x19: {  	s7 =	sld [smem:$0x3F9F]  }
0x1a: {  	s8 =	sadd.s32 $0xFFFFE003, lr  }
0x1b: {  	s9 =	sadd.s32 $0xFFFFFEF7, lr;
	s5 =	simm.s32 $0xFFFFFFFF;
	p2 =	slt.u32 s8, $0xFFFFF086  }
0x1c: {  	p1 =	slt.u32 s9, $0xF7A;
	s5 =	simm.s32 @!p2 $0x0  }
0x1d: {  	s5 =	simm.s32 @p1 $0x1;
	p0 =	seq.s32 s7, s2  }
0x1e: {  	s7 =	smul.u32 @!p0 $0xF7A, s2;
	p2 =	seq.s32 @!p0 s5, $0x0  }
0x1f: {  	s9 =	smul.u32 $0xF7A, s1;
	s8 =	simm.s32 @!p0 $0x1BF5;
	p2 =	por !p2, p0  }
0x20: {  	[sflag:s8] =	ssyncset.s32 @!p0 $0xFFFFF086;
	s6 =	sadd.s32 @!p0 s3, s7;
	s7 =	simm.s32 @!p0 $0x108  }
0x21: {  	s3 =	sadd.s32 s3, s9;
	s6 =	sadd.s32 @!p0 $0x88, s6;
	s7 =	simm.s32 @p2 $0x1082  }
0x22: {  	[simem:s7], [sflag:s8] =	dma.local @!p0 [hbm:s6], $0xF7A  }
0x23: {  	s9 =	sor.u32 $0xD0000000, s2;
	s6 =	simm.s32 $0x108;
	_ =	swait.ge @!p0 [sflag:s8], $0x0  }
0x24: {  	s3 =	sadd.s32 $0x88, s3;
	s6 =	simm.s32 @!p1 $0x1082;
	[sflag:s4] =	ssyncset.s32 $0xFFFFF086  }
0x25: {  	[simem:s6], [sflag:s4] =	dma.local [hbm:s3], $0xF7A  }
0x26: {  	[smem:$0x3F9F] =	sst s1;
	(tag) =	ssettag s2;
	_ =	strace s9  }
0x27: {  	s1 =	sld [smem:$0x3FAF]  }
0x28: {  	s2 =	sld [smem:$0x3FB0]  }
0x29: {  	s4 =	sld [smem:$0x3FB2]  }
0x2a: {  	p0 =	seq.s32 s5, $0x0;
	s5 =	sld [smem:$0x3FB3]  }
0x2b: {  	s6 =	sld [smem:$0x3FB4]  }
0x2c: {  	s7 =	sld [smem:$0x3FB5]  }
0x2d: {  	s3 =	simm.s32 $0x108;
	s8 =	sld [smem:$0x3FB6]  }
0x2e: {  	s3 =	simm.s32 @!p0 $0x1082;
	s9 =	sld [smem:$0x3FB7]  }
0x2f: {  	lr =	sadd.s32 s0, s3;
	s0 =	sld [smem:$0x3FAE]  }
0x30: {  	s3 =	sld [smem:$0x3FB1]  }
0x31: {  	[smem:$0x3FBA] =	sst s10  }
0x32: {  	s10 =	sld [smem:$0x3FB8];
	_ =	sdelay $0x3  }
0x33: {  	p0 =	seq.s32 s10, $0x1;
	s10 =	sld [smem:$0x3FBA];
	_ =	sdelay $0x3  }
0x34: {  	[smem:$0x3FBA] =	sst s10  }
0x35: {  	s10 =	sld [smem:$0x3FB9];
	_ =	sdelay $0x3  }
0x36: {  	p1 =	seq.s32 s10, $0x1;
	s10 =	sld [smem:$0x3FBA];
	_ =	sdelay $0x3  }
0x37: {  	[smem:$0x3FBA] =	sst s10  }
0x38: {  	s10 =	sld [smem:$0x3FBB]  }
0x39: {  	_ = 	snop;
	(pc) =	sbr.ind lr, $3  }
0x3a: {  	_ = 	snop  }
0x3b: {  	_ = 	snop  }
0x3c: {  	p2 =	seq.s32 s10, $0x1;
	s10 =	sld [smem:$0x3FBA]  }
0x3d: {  	_ =	shalt  }
0x3e: {  	_ =	shalt  }
0x3f: {  	_ =	shalt  }
0x40: {  	_ =	shalt  }
0x41: {  	_ =	shalt  }
0x42: {  	_ =	shalt  }
0x43: {  	_ =	shalt  }
0x44: {  	_ =	shalt  }
0x45: {  	_ =	shalt  }
0x46: {  	_ =	shalt  }
0x47: {  	_ =	shalt  }
0x48: {  	_ =	shalt  }
0x49: {  	_ =	shalt  }
0x4a: {  	_ =	shalt  }
0x4b: {  	_ =	shalt  }
0x4c: {  	_ =	shalt  }
0x4d: {  	_ =	shalt  }
0x4e: {  	_ =	shalt  }
0x4f: {  	_ =	shalt  }
0x50: {  	_ =	shalt  }
0x51: {  	_ =	shalt  }
0x52: {  	_ =	shalt  }
0x53: {  	_ =	shalt  }
0x54: {  	_ =	shalt  }
0x55: {  	_ =	shalt  }
0x56: {  	_ =	shalt  }
0x57: {  	_ =	shalt  }
0x58: {  	_ =	shalt  }
0x59: {  	_ =	shalt  }
0x5a: {  	_ =	shalt  }
0x5b: {  	_ =	shalt  }
0x5c: {  	_ =	shalt  }
0x5d: {  	_ =	shalt  }
0x5e: {  	_ =	shalt  }
0x5f: {  	_ =	shalt  }
0x60: {  	_ =	shalt  }
0x61: {  	_ =	shalt  }
0x62: {  	_ =	shalt  }
0x63: {  	_ =	shalt  }
0x64: {  	_ =	shalt  }
0x65: {  	_ =	shalt  }
0x66: {  	_ =	shalt  }
0x67: {  	_ =	shalt  }
0x68: {  	_ =	shalt  }
0x69: {  	_ =	shalt  }
0x6a: {  	_ =	shalt  }
0x6b: {  	_ =	shalt  }
0x6c: {  	_ =	shalt  }
0x6d: {  	_ =	shalt  }
0x6e: {  	_ =	shalt  }
0x6f: {  	_ =	shalt  }
0x70: {  	_ =	shalt  }
0x71: {  	_ =	shalt  }
0x72: {  	_ =	shalt  }
0x73: {  	_ =	shalt  }
0x74: {  	_ =	shalt  }
0x75: {  	_ =	shalt  }
0x76: {  	_ =	shalt  }
0x77: {  	_ =	shalt  }
0x78: {  	_ =	shalt  }
0x79: {  	_ =	shalt  }
0x7a: {  	_ =	shalt  }
0x7b: {  	_ =	shalt  }
0x7c: {  	_ =	shalt  }
0x7d: {  	_ =	shalt  }
0x7e: {  	_ =	shalt  }
0x7f: {  	_ =	shalt  }
0x80: {  	_ =	shalt  }
0x81: {  	_ =	shalt  }
0x82: {  	_ =	shalt  }
0x83: {  	_ =	shalt  }
0x84: {  	_ =	shalt  }
0x85: {  	_ =	shalt  }
0x86: {  	_ =	shalt  }
0x87: {  	_ =	shalt  }
.Lfunc_end0:
.L_simem_size_0:
called_computation_lowered:
.L_overlay_start_0:
0x88: {  	s2 =	sld [smem:$0x3FD9]  }
0x89: {  	s3 =	sld [smem:$0x3FFE];
	_ =	sdelay $0x1  }
0x8a: {  	s1 =	srdreg.scid  }
0x8b: {  	s0 =	sand.u32 $0x1, s1  }
0x8c: {  	s17 =	sshll.u32 s0, $0xA;
	s2 =	sadd.s32 s3, s2  }
0x8d: {  	s2 =	sadd.s32 s2, s17  }
0x8e: {  	[smem:$0x3FC6] =	sst s2  }
0x8f: {  	_ = 	snop  }
0x90: {  	s2 =	sld [smem:$0x3FC9]  }
0x91: {  	s18 =	sld [smem:$0x3FD0];
	(tm) =	ssettm $0x1  }
0x92: {  	s4 =	sld [smem:$0x3FFB];
	_ =	sdelay $0x3  }
0x93: {  	_ =	strace s4  }
0x94: {  	s4 =	sld [smem:$0x3FFC];
	_ =	sdelay $0x3  }
0x95: {  	_ =	strace s4  }
0x96: {  	s4 =	sld [smem:$0x3FFD];
	_ =	sdelay $0x3  }
0x97: {  	_ =	strace s4  }
0x98: {  	_ =	strace $0x8FFFFFFF  }
0x99: {  	s19 =	sld [smem:$0x3FDB];
	_ =	sdelay $0x1  }
0x9a: {  	s5 =	simm.s32 $_scs_section_size  }
0x9b: {  	s6 =	simm.s32 $_size__tile_overlayer_lowered;
	s7 =	simm.s32 $_tile_overlayer_lowered  }
0x9c: {  	s22 =	simm.s32 $0x1BFF;
	s21 =	sshll.u32 s7, $0x1;
	s4 =	sadd.s32 s5, s19  }
0x9d: {  	s8 =	simm.s32 $0x0;
	s20 =	sshll.u32 s6, $0x1;
	s6 =	sadd.s32 s21, s4  }
0x9e: {  	[timem:s8], [sflag:s22] =	dma.local [hbm:s6], s20  }
0x9f: {  	_ =	swait.ge [sflag:s22], s20  }
0xa0: {  	s5 =	ssub.s32 $0x0, s20;
	[sflag:s22] =	ssyncset.done $0x0  }
0xa1: {  	[sflag:s22] =	ssyncadd.s32 s5;
	_ =	sdelay $0x1  }
0xa2: {  	s23 =	simm.s32 $0x1B8B  }
0xa3: {  	_ =	swait.ge [sflag:s23], $0x1  }
0xa4: {  	[sflag:s23] =	ssyncset.done $0x0  }
0xa5: {  	s25 =	simm.s32 $0x1B8E;
	s24 =	sld [smem:$0x3FFE];
	[sflag:s23] =	ssyncadd.s32 $0xFFFFFFFF  }
0xa6: {  	s26 =	simm.s32 $execute0_lowered;
	[smem:$0x3FD2] =	sst s25  }
0xa7: {  	s6 =	sshll.u32 s26, $0x1;
	_ =	strace $0x80000046;
	[dreg:$0x1] =	wrdreg $0xFFFFFFFF  }
0xa8: {  	s28 =	simm.s32 $_size_execute0_lowered;
	s4 =	sadd.s32 s4, s6;
	[dreg:$0x0] =	wrdreg $0x0  }
0xa9: {  	s6 =	sshll.u32 s28, $0x1;
	[dreg:$0x2] =	wrdreg s4  }
0xaa: {  	[dreg:$0x3] =	wrdreg s6  }
0xab: {  	[dreg:$0x4] =	wrdreg $0xC0  }
0xac: {  	_ =	task [dreg:s8], $0x5FFFF  }
0xad: {  	[dreg:$0x1] =	wrdreg $0xFFFFFFFF  }
0xae: {  	[dreg:$0x0] =	wrdreg $0x60  }
0xaf: {  	[dreg:$0x2] =	wrdreg s18  }
0xb0: {  	[dreg:$0x3] =	wrdreg s2  }
0xb1: {  	[dreg:$0x4] =	wrdreg s24  }
0xb2: {  	[dreg:$0x5] =	wrdreg $0x9  }
0xb3: {  	_ =	task.clear_ibuf [dreg:s8], $0x6FFFF;
	_ =	strace $0x90000046  }
0xb4: {  	s29 =	simm.s32 $0x9;
	_ =	strace $0x80000048  }
0xb5: {  	_ =	swait.ge [sflag:s29], $0x1  }
0xb6: {  	[sflag:s29] =	ssyncadd.s32 $0xFFFFFFFF  }
0xb7: {  	_ =	strace $0x90000048  }
0xb8: {  	_ =	sfence  }
0xb9: {  	s30 =	sld [smem:$0x0];
	_ =	sdelay $0x2  }
0xba: {  	s31 =	sshll.u32 s1, $0xD;
	s1 =	sshrl.u32 s1, $0x2  }
0xbb: {  	s3 =	sand.u32 $0x4000, s31;
	s1 =	sadd.s32 s1, s30  }
0xbc: {  	s0 =	sor.u32 s3, s0;
	s1 =	sshll.u32 s1, $0x11  }
0xbd: {  	s0 =	sor.u32 s1, s0  }
0xbe: {  	s0 =	sadd.s32 $0x8F2B, s0  }
0xbf: {  	[sflag:s0] =	ssyncadd.remote.s32 $0x1  }
0xc0: {  	_ =	sfence.sel $0xFFFF  }
0xc1: {  	[dreg:$0x0] =	wrdreg $0xFFFFFFFF;
	(pc) =	sbr.abs _section_cstart, $3  }
0xc2: {  	[dreg:$0x1] =	wrdreg $0xFFFFFFFF  }
0xc3: {  	_ =	task.clear_ibuf [dreg:s8], $0x2FFFF;
	_ =	strace $0x9FFFFFFF  }
0xc4: {  	(tm) =	ssettm $0x7FFFFFFF  }
0xc5: {  	_ =	shalt  }
tec
execute0_lowered:
.L_overlay_start_1:
0x0: {  	(tag) =	ssettag $0x1  }
0x1: {  	s0 =	srdreg.scid  }
0x2: {  	s1 =	rddreg [dreg:$0x0];
	s3 =	stileid.u32;
	s0 =	sand.u32 $0x1, s0  }
0x3: {  	s2 =	rddreg [dreg:$0x1];
	s5 =	sshll.u32 s3, $0xA;
	s6 =	sshll.u32 s0, $0x9  }
0x4: {  	s4 =	rddreg [dreg:$0x2];
	s5 =	sor.u32 s6, s5  }
0x5: {  	s3 =	simm.s32 $0x0;
	s6 =	sshll.u32 s5, $0x6;
	s5 =	sshrl.u32 s5, $0x3  }
0x6: {  	[smem:$0x7FF] =	sst s3;
	s6 =	sadd.s32 s6, s4;
	s2 =	sadd.s32 s2, s5  }
0x7: {  	_ =	strace $0x80000047;
	[dreg:$0x4] =	wrdreg s2;
	s11 =	sadd.s32 $0x800, s6  }
0x8: {  	s12 =	sadd.s32 $0x1000, s6;
	[dreg:$0x5] =	wrdreg s11  }
0x9: {  	s13 =	sadd.s32 $0x1800, s6;
	[dreg:$0x6] =	wrdreg s12  }
0xa: {  	s14 =	sadd.s32 $0x2000, s6;
	[dreg:$0x7] =	wrdreg s13  }
0xb: {  	s15 =	sadd.s32 $0x2800, s6;
	[dreg:$0x8] =	wrdreg s14  }
0xc: {  	s16 =	sadd.s32 $0x3000, s6;
	[dreg:$0x9] =	wrdreg s15  }
0xd: {  	s31 =	simm.s32 $0x15200;
	s17 =	sadd.s32 $0x3800, s6;
	[dreg:$0xa] =	wrdreg s16  }
0xe: {  	s28 =	simm.s32 $0x16200;
	s18 =	sadd.s32 $0x4000, s6;
	[dreg:$0xb] =	wrdreg s17  }
0xf: {  	s29 =	simm.s32 $0x16A00;
	s19 =	sadd.s32 $0x4800, s6;
	[dreg:$0xc] =	wrdreg s18  }
0x10: {  	s0 =	ssub.s32 $0x2, s0;
	s20 =	sadd.s32 $0x5000, s6;
	[dreg:$0xd] =	wrdreg s19  }
0x11: {  	s24 =	sshrl.u32 s0, $0x1;
	s21 =	sadd.s32 $0x5800, s6;
	[dreg:$0xe] =	wrdreg s20  }
0x12: {  	s0 =	ssub.s32 s0, s24;
	s22 =	sadd.s32 $0x6000, s6;
	[dreg:$0xf] =	wrdreg s21  }
0x13: {  	s24 =	simm.s32 $0xA;
	s23 =	sadd.s32 $0x6800, s6;
	[dreg:$0x10] =	wrdreg s22  }
0x14: {  	s4 =	sadd.s32 $0x100, s1;
	s25 =	sadd.s32 $0x7000, s6;
	[dreg:$0x11] =	wrdreg s23  }
0x15: {  	s5 =	smax.u32 s0, $0x1;
	s26 =	sadd.s32 $0x7800, s6;
	[dreg:$0x12] =	wrdreg s25  }
0x16: {  	s30 =	sadd.s32 $0x8000, s6;
	s6 =	simm.s32 $0x8200;
	[dreg:$0x13] =	wrdreg s26  }
0x17: {  	[dreg:$0x14] =	wrdreg s30;
	s12 =	simm.s32 $0x1;
	s17 =	simm.s32 $0x7  }
0x18: {  	s18 =	simm.s32 $0x2;
	s19 =	simm.s32 $0x8;
	s20 =	simm.s32 $0x3  }
0x19: {  	v2 =	vlaneseq.u32;
	s21 =	simm.s32 $0x9;
	s22 =	simm.s32 $0x4;
	s15 =	simm.s32 $0x200  }
0x1a: {  	vm0 =	vmmov $0xffff;
	v1 =	vshrl.u32 v2, $0x3;
	s23 =	simm.s32 $0x4200;
	s25 =	simm.s32 $0xC200;
	s13 =	simm.s32 $0x11200  }
0x1b: {  	v0 =	vand.u32 $0x7, v2;
	v2 =	vor.u32 $0x8, v2;
	v1 =	vmul.u32 $0x8, v1;
	s14 =	simm.s32 $0x11A00;
	s11 =	simm.s32 $0x12200;
	s26 =	simm.s32 $0x15A00  }
.LBB2_1:
0x1c: {  	s30 =	rddreg [dreg:$0x4];
	s8 =	simm.s32 $0xD  }
0x1d: {  	[tilespmem:s3], [sflag:$0xD] =	stream.linear.gather [hbm4b:s30+s3], $0x200, $0x38;
	[tilespmem:$0x18200] =	vst v63  }
0x1e: {  	_ =	swait.ge [sflag:s8], $0x200  }
0x1f: {  	[sflag:s8] =	ssyncset.done $0x0  }
0x20: {  	[sflag:s8] =	ssyncadd.s32 $0xFFFFFE00  }
0x21: {  	v3 =	vld [tilespmem:$0x0];
	_ =	sdelay $0x4  }
0x22: {  	v4 =	vshll.u32 v3, $0x2  }
0x23: {  	v3 =	vand.u32 $0x7, v3;
	v4 =	vand.u32 $0xFFFFFFE0, v4  }
0x24: {  	v3 =	vor.u32 v3, v4  }
0x25: {  	v4 =	vperm.xlane v3, v0;
	_ =	sdelay $0x1  }
0x26: {  	v4 =	vadd.s32 v1, v4;
	_ =	sdelay $0x1  }
0x27: {  	v3 =	vperm.xlane v3, v2;
	_ =	sdelay $0x1  }
0x28: {  	v3 =	vadd.s32 v1, v3  }
0x29: {  	[tilespmem:s15], [sflag:$0x1] =	stream.indirect_vreg.gather [hbm4b:s1+s3], $0x80, v4, vm0, $0xb8;
	[tilespmem:$0x18200] =	vst v63  }
0x2a: {  	s0 =	simm.s32 $0xA00  }
0x2b: {  	[tilespmem:s0], [sflag:$0x1] =	stream.indirect_vreg.gather [hbm4b:s4+s3], $0x80, v4, vm0, $0xb8;
	[tilespmem:$0x18200] =	vst v63  }
0x2c: {  	s9 =	simm.s32 $0x1200  }
0x2d: {  	[tilespmem:s9], [sflag:$0x1] =	stream.indirect_vreg.gather [hbm4b:s1+s3], $0x80, v3, vm0, $0xb8;
	[tilespmem:$0x18200] =	vst v63  }
0x2e: {  	s10 =	simm.s32 $0x1A00  }
0x2f: {  	[tilespmem:s10], [sflag:$0x1] =	stream.indirect_vreg.gather [hbm4b:s4+s3], $0x80, v3, vm0, $0xb8;
	[tilespmem:$0x18200] =	vst v63  }
0x30: {  	v3 =	vld [tilespmem:$0x10];
	_ =	sdelay $0x4  }
0x31: {  	v33 =	vshll.u32 v3, $0x2  }
0x32: {  	v3 =	vand.u32 $0x7, v3;
	v4 =	vand.u32 $0xFFFFFFE0, v33  }
0x33: {  	v3 =	vor.u32 v3, v4  }
0x34: {  	v4 =	vperm.xlane v3, v0;
	_ =	sdelay $0x1  }
0x35: {  	v4 =	vadd.s32 v1, v4;
	_ =	sdelay $0x1  }
0x36: {  	v3 =	vperm.xlane v3, v2;
	_ =	sdelay $0x1  }
0x37: {  	s16 =	simm.s32 $0x2200;
	v3 =	vadd.s32 v1, v3  }
0x38: {  	[tilespmem:s16], [sflag:$0x1] =	stream.indirect_vreg.gather [hbm4b:s1+s3], $0x80, v4, vm0, $0xb8;
	[tilespmem:$0x18200] =	vst v63  }
0x39: {  	s30 =	simm.s32 $0x2A00  }
0x3a: {  	[tilespmem:s30], [sflag:$0x1] =	stream.indirect_vreg.gather [hbm4b:s4+s3], $0x80, v4, vm0, $0xb8;
	[tilespmem:$0x18200] =	vst v63  }
0x3b: {  	s7 =	simm.s32 $0x3200  }
0x3c: {  	[tilespmem:s7], [sflag:$0x1] =	stream.indirect_vreg.gather [hbm4b:s1+s3], $0x80, v3, vm0, $0xb8;
	[tilespmem:$0x18200] =	vst v63  }
0x3d: {  	s8 =	simm.s32 $0x3A00  }
0x3e: {  	[tilespmem:s8], [sflag:$0x1] =	stream.indirect_vreg.gather [hbm4b:s4+s3], $0x80, v3, vm0, $0xb8;
	[tilespmem:$0x18200] =	vst v63  }
0x3f: {  	v3 =	vld [tilespmem:$0x20];
	_ =	sdelay $0x4  }
0x40: {  	v34 =	vshll.u32 v3, $0x2  }
0x41: {  	v3 =	vand.u32 $0x7, v3;
	v4 =	vand.u32 $0xFFFFFFE0, v34  }
0x42: {  	v3 =	vor.u32 v3, v4  }
0x43: {  	v4 =	vperm.xlane v3, v0;
	_ =	sdelay $0x1  }
0x44: {  	v4 =	vadd.s32 v1, v4;
	_ =	sdelay $0x1  }
0x45: {  	v3 =	vperm.xlane v3, v2;
	_ =	sdelay $0x1  }
0x46: {  	v3 =	vadd.s32 v1, v3  }
0x47: {  	[tilespmem:s23], [sflag:$0x2] =	stream.indirect_vreg.gather [hbm4b:s1+s3], $0x80, v4, vm0, $0xb8;
	[tilespmem:$0x18200] =	vst v63  }
0x48: {  	s9 =	simm.s32 $0x4A00  }
0x49: {  	[tilespmem:s9], [sflag:$0x2] =	stream.indirect_vreg.gather [hbm4b:s4+s3], $0x80, v4, vm0, $0xb8;
	[tilespmem:$0x18200] =	vst v63  }
0x4a: {  	s10 =	simm.s32 $0x5200  }
0x4b: {  	[tilespmem:s10], [sflag:$0x2] =	stream.indirect_vreg.gather [hbm4b:s1+s3], $0x80, v3, vm0, $0xb8;
	[tilespmem:$0x18200] =	vst v63  }
0x4c: {  	s30 =	simm.s32 $0x5A00  }
0x4d: {  	[tilespmem:s30], [sflag:$0x2] =	stream.indirect_vreg.gather [hbm4b:s4+s3], $0x80, v3, vm0, $0xb8;
	[tilespmem:$0x18200] =	vst v63  }
0x4e: {  	v3 =	vld [tilespmem:$0x30];
	_ =	sdelay $0x4  }
0x4f: {  	v35 =	vshll.u32 v3, $0x2  }
0x50: {  	v3 =	vand.u32 $0x7, v3;
	v4 =	vand.u32 $0xFFFFFFE0, v35  }
0x51: {  	v3 =	vor.u32 v3, v4  }
0x52: {  	v4 =	vperm.xlane v3, v0;
	_ =	sdelay $0x1  }
0x53: {  	v4 =	vadd.s32 v1, v4;
	_ =	sdelay $0x1  }
0x54: {  	v3 =	vperm.xlane v3, v2;
	_ =	sdelay $0x1  }
0x55: {  	s7 =	simm.s32 $0x6200;
	v3 =	vadd.s32 v1, v3  }
0x56: {  	[tilespmem:s7], [sflag:$0x2] =	stream.indirect_vreg.gather [hbm4b:s1+s3], $0x80, v4, vm0, $0xb8;
	[tilespmem:$0x18200] =	vst v63  }
0x57: {  	s8 =	simm.s32 $0x6A00  }
0x58: {  	[tilespmem:s8], [sflag:$0x2] =	stream.indirect_vreg.gather [hbm4b:s4+s3], $0x80, v4, vm0, $0xb8;
	[tilespmem:$0x18200] =	vst v63  }
0x59: {  	s9 =	simm.s32 $0x7200  }
0x5a: {  	[tilespmem:s9], [sflag:$0x2] =	stream.indirect_vreg.gather [hbm4b:s1+s3], $0x80, v3, vm0, $0xb8;
	[tilespmem:$0x18200] =	vst v63  }
0x5b: {  	s10 =	simm.s32 $0x7A00  }
0x5c: {  	[tilespmem:s10], [sflag:$0x2] =	stream.indirect_vreg.gather [hbm4b:s4+s3], $0x80, v3, vm0, $0xb8;
	[tilespmem:$0x18200] =	vst v63  }
0x5d: {  	v3 =	vld [tilespmem:$0x40];
	_ =	sdelay $0x4  }
0x5e: {  	v36 =	vshll.u32 v3, $0x2  }
0x5f: {  	v3 =	vand.u32 $0x7, v3;
	v4 =	vand.u32 $0xFFFFFFE0, v36  }
0x60: {  	v3 =	vor.u32 v3, v4  }
0x61: {  	v4 =	vperm.xlane v3, v0;
	_ =	sdelay $0x1  }
0x62: {  	v4 =	vadd.s32 v1, v4;
	_ =	sdelay $0x1  }
0x63: {  	v3 =	vperm.xlane v3, v2;
	_ =	sdelay $0x1  }
0x64: {  	v3 =	vadd.s32 v1, v3  }
0x65: {  	[tilespmem:s6], [sflag:$0x3] =	stream.indirect_vreg.gather [hbm4b:s1+s3], $0x80, v4, vm0, $0xb8;
	[tilespmem:$0x18200] =	vst v63  }
0x66: {  	s30 =	simm.s32 $0x8A00  }
0x67: {  	[tilespmem:s30], [sflag:$0x3] =	stream.indirect_vreg.gather [hbm4b:s4+s3], $0x80, v4, vm0, $0xb8;
	[tilespmem:$0x18200] =	vst v63  }
0x68: {  	s7 =	simm.s32 $0x9200  }
0x69: {  	[tilespmem:s7], [sflag:$0x3] =	stream.indirect_vreg.gather [hbm4b:s1+s3], $0x80, v3, vm0, $0xb8;
	[tilespmem:$0x18200] =	vst v63  }
0x6a: {  	s8 =	simm.s32 $0x9A00  }
0x6b: {  	[tilespmem:s8], [sflag:$0x3] =	stream.indirect_vreg.gather [hbm4b:s4+s3], $0x80, v3, vm0, $0xb8;
	[tilespmem:$0x18200] =	vst v63  }
0x6c: {  	v3 =	vld [tilespmem:$0x50];
	_ =	sdelay $0x4  }
0x6d: {  	v37 =	vshll.u32 v3, $0x2  }
0x6e: {  	v3 =	vand.u32 $0x7, v3;
	v4 =	vand.u32 $0xFFFFFFE0, v37  }
0x6f: {  	v3 =	vor.u32 v3, v4  }
0x70: {  	v4 =	vperm.xlane v3, v0;
	_ =	sdelay $0x1  }
0x71: {  	v4 =	vadd.s32 v1, v4;
	_ =	sdelay $0x1  }
0x72: {  	v3 =	vperm.xlane v3, v2;
	_ =	sdelay $0x1  }
0x73: {  	s9 =	simm.s32 $0xA200;
	v3 =	vadd.s32 v1, v3  }
0x74: {  	[tilespmem:s9], [sflag:$0x3] =	stream.indirect_vreg.gather [hbm4b:s1+s3], $0x80, v4, vm0, $0xb8;
	[tilespmem:$0x18200] =	vst v63  }
0x75: {  	s10 =	simm.s32 $0xAA00  }
0x76: {  	[tilespmem:s10], [sflag:$0x3] =	stream.indirect_vreg.gather [hbm4b:s4+s3], $0x80, v4, vm0, $0xb8;
	[tilespmem:$0x18200] =	vst v63  }
0x77: {  	s30 =	simm.s32 $0xB200  }
0x78: {  	[tilespmem:s30], [sflag:$0x3] =	stream.indirect_vreg.gather [hbm4b:s1+s3], $0x80, v3, vm0, $0xb8;
	[tilespmem:$0x18200] =	vst v63  }
0x79: {  	s7 =	simm.s32 $0xBA00  }
0x7a: {  	[tilespmem:s7], [sflag:$0x3] =	stream.indirect_vreg.gather [hbm4b:s4+s3], $0x80, v3, vm0, $0xb8;
	[tilespmem:$0x18200] =	vst v63  }
0x7b: {  	v3 =	vld [tilespmem:$0x60];
	_ =	sdelay $0x4  }
0x7c: {  	v38 =	vshll.u32 v3, $0x2  }
0x7d: {  	v3 =	vand.u32 $0x7, v3;
	v4 =	vand.u32 $0xFFFFFFE0, v38  }
0x7e: {  	v3 =	vor.u32 v3, v4  }
0x7f: {  	v4 =	vperm.xlane v3, v0;
	_ =	sdelay $0x1  }
0x80: {  	v4 =	vadd.s32 v1, v4;
	_ =	sdelay $0x1  }
0x81: {  	v3 =	vperm.xlane v3, v2;
	_ =	sdelay $0x1  }
0x82: {  	v3 =	vadd.s32 v1, v3  }
0x83: {  	[tilespmem:s25], [sflag:$0x4] =	stream.indirect_vreg.gather [hbm4b:s1+s3], $0x80, v4, vm0, $0xb8;
	[tilespmem:$0x18200] =	vst v63  }
0x84: {  	s8 =	simm.s32 $0xCA00  }
0x85: {  	[tilespmem:s8], [sflag:$0x4] =	stream.indirect_vreg.gather [hbm4b:s4+s3], $0x80, v4, vm0, $0xb8;
	[tilespmem:$0x18200] =	vst v63  }
0x86: {  	s9 =	simm.s32 $0xD200  }
0x87: {  	[tilespmem:s9], [sflag:$0x4] =	stream.indirect_vreg.gather [hbm4b:s1+s3], $0x80, v3, vm0, $0xb8;
	[tilespmem:$0x18200] =	vst v63  }
0x88: {  	s10 =	simm.s32 $0xDA00  }
0x89: {  	[tilespmem:s10], [sflag:$0x4] =	stream.indirect_vreg.gather [hbm4b:s4+s3], $0x80, v3, vm0, $0xb8;
	[tilespmem:$0x18200] =	vst v63  }
0x8a: {  	v3 =	vld [tilespmem:$0x70];
	_ =	sdelay $0x4  }
0x8b: {  	v39 =	vshll.u32 v3, $0x2  }
0x8c: {  	v3 =	vand.u32 $0x7, v3;
	v4 =	vand.u32 $0xFFFFFFE0, v39  }
0x8d: {  	v3 =	vor.u32 v3, v4  }
0x8e: {  	v4 =	vperm.xlane v3, v0;
	_ =	sdelay $0x1  }
0x8f: {  	v4 =	vadd.s32 v1, v4;
	_ =	sdelay $0x1  }
0x90: {  	v3 =	vperm.xlane v3, v2;
	_ =	sdelay $0x1  }
0x91: {  	s30 =	simm.s32 $0xE200;
	v3 =	vadd.s32 v1, v3  }
0x92: {  	[tilespmem:s30], [sflag:$0x4] =	stream.indirect_vreg.gather [hbm4b:s1+s3], $0x80, v4, vm0, $0xb8;
	[tilespmem:$0x18200] =	vst v63  }
0x93: {  	s7 =	simm.s32 $0xEA00  }
0x94: {  	[tilespmem:s7], [sflag:$0x4] =	stream.indirect_vreg.gather [hbm4b:s4+s3], $0x80, v4, vm0, $0xb8;
	[tilespmem:$0x18200] =	vst v63  }
0x95: {  	s8 =	simm.s32 $0xF200  }
0x96: {  	[tilespmem:s8], [sflag:$0x4] =	stream.indirect_vreg.gather [hbm4b:s1+s3], $0x80, v3, vm0, $0xb8;
	[tilespmem:$0x18200] =	vst v63  }
0x97: {  	s9 =	simm.s32 $0xFA00  }
0x98: {  	[tilespmem:s9], [sflag:$0x4] =	stream.indirect_vreg.gather [hbm4b:s4+s3], $0x80, v3, vm0, $0xb8;
	[tilespmem:$0x18200] =	vst v63  }
0x99: {  	v3 =	vld [tilespmem:$0x80];
	_ =	sdelay $0x4  }
0x9a: {  	v40 =	vshll.u32 v3, $0x2  }
0x9b: {  	v3 =	vand.u32 $0x7, v3;
	v4 =	vand.u32 $0xFFFFFFE0, v40  }
0x9c: {  	v3 =	vor.u32 v3, v4  }
0x9d: {  	v4 =	vperm.xlane v3, v0;
	_ =	sdelay $0x1  }
0x9e: {  	v4 =	vadd.s32 v1, v4;
	_ =	sdelay $0x1  }
0x9f: {  	v3 =	vperm.xlane v3, v2;
	_ =	sdelay $0x1  }
0xa0: {  	s10 =	simm.s32 $0x10200;
	v3 =	vadd.s32 v1, v3  }
0xa1: {  	[tilespmem:s10], [sflag:$0x5] =	stream.indirect_vreg.gather [hbm4b:s1+s3], $0x80, v4, vm0, $0xb8;
	[tilespmem:$0x18200] =	vst v63  }
0xa2: {  	s7 =	simm.s32 $0x10A00  }
0xa3: {  	[tilespmem:s7], [sflag:$0x5] =	stream.indirect_vreg.gather [hbm4b:s4+s3], $0x80, v4, vm0, $0xb8;
	[tilespmem:$0x18200] =	vst v63  }
0xa4: {  	_ = 	snop  }
0xa5: {  	[tilespmem:s13], [sflag:$0x5] =	stream.indirect_vreg.gather [hbm4b:s1+s3], $0x80, v3, vm0, $0xb8;
	[tilespmem:$0x18200] =	vst v63  }
0xa6: {  	_ = 	snop  }
0xa7: {  	[tilespmem:s14], [sflag:$0x5] =	stream.indirect_vreg.gather [hbm4b:s4+s3], $0x80, v3, vm0, $0xb8;
	[tilespmem:$0x18200] =	vst v63  }
0xa8: {  	v3 =	vld [tilespmem:$0x90];
	_ =	sdelay $0x4  }
0xa9: {  	v41 =	vshll.u32 v3, $0x2  }
0xaa: {  	v3 =	vand.u32 $0x7, v3;
	v4 =	vand.u32 $0xFFFFFFE0, v41  }
0xab: {  	v3 =	vor.u32 v3, v4  }
0xac: {  	v4 =	vperm.xlane v3, v0;
	_ =	sdelay $0x1  }
0xad: {  	v4 =	vadd.s32 v1, v4;
	_ =	sdelay $0x1  }
0xae: {  	v3 =	vperm.xlane v3, v2;
	_ =	sdelay $0x1  }
0xaf: {  	v3 =	vadd.s32 v1, v3  }
0xb0: {  	[tilespmem:s11], [sflag:$0x5] =	stream.indirect_vreg.gather [hbm4b:s1+s3], $0x80, v4, vm0, $0xb8;
	[tilespmem:$0x18200] =	vst v63  }
0xb1: {  	s8 =	simm.s32 $0x12A00  }
0xb2: {  	[tilespmem:s8], [sflag:$0x5] =	stream.indirect_vreg.gather [hbm4b:s4+s3], $0x80, v4, vm0, $0xb8;
	[tilespmem:$0x18200] =	vst v63  }
0xb3: {  	s9 =	simm.s32 $0x13200  }
0xb4: {  	[tilespmem:s9], [sflag:$0x5] =	stream.indirect_vreg.gather [hbm4b:s1+s3], $0x80, v3, vm0, $0xb8;
	[tilespmem:$0x18200] =	vst v63  }
0xb5: {  	s10 =	simm.s32 $0x13A00  }
0xb6: {  	[tilespmem:s10], [sflag:$0x5] =	stream.indirect_vreg.gather [hbm4b:s4+s3], $0x80, v3, vm0, $0xb8;
	[tilespmem:$0x18200] =	vst v63  }
0xb7: {  	v3 =	vld [tilespmem:$0xA0];
	_ =	sdelay $0x4  }
0xb8: {  	v42 =	vshll.u32 v3, $0x2  }
0xb9: {  	v3 =	vand.u32 $0x7, v3;
	v4 =	vand.u32 $0xFFFFFFE0, v42  }
0xba: {  	v3 =	vor.u32 v3, v4  }
0xbb: {  	v4 =	vperm.xlane v3, v0;
	_ =	sdelay $0x1  }
0xbc: {  	v4 =	vadd.s32 v1, v4;
	_ =	sdelay $0x1  }
0xbd: {  	v3 =	vperm.xlane v3, v2;
	_ =	sdelay $0x1  }
0xbe: {  	s30 =	simm.s32 $0x14200;
	v3 =	vadd.s32 v1, v3  }
0xbf: {  	[tilespmem:s30], [sflag:$0x6] =	stream.indirect_vreg.gather [hbm4b:s1+s3], $0x80, v4, vm0, $0xb8;
	[tilespmem:$0x18200] =	vst v63  }
0xc0: {  	s30 =	simm.s32 $0x14A00  }
0xc1: {  	[tilespmem:s30], [sflag:$0x6] =	stream.indirect_vreg.gather [hbm4b:s4+s3], $0x80, v4, vm0, $0xb8;
	[tilespmem:$0x18200] =	vst v63  }
0xc2: {  	_ = 	snop  }
0xc3: {  	[tilespmem:s31], [sflag:$0x6] =	stream.indirect_vreg.gather [hbm4b:s1+s3], $0x80, v3, vm0, $0xb8;
	[tilespmem:$0x18200] =	vst v63  }
0xc4: {  	_ = 	snop  }
0xc5: {  	[tilespmem:s26], [sflag:$0x6] =	stream.indirect_vreg.gather [hbm4b:s4+s3], $0x80, v3, vm0, $0xb8;
	[tilespmem:$0x18200] =	vst v63  }
0xc6: {  	v3 =	vld [tilespmem:$0xB0];
	_ =	sdelay $0x4  }
0xc7: {  	v43 =	vshll.u32 v3, $0x2  }
0xc8: {  	v3 =	vand.u32 $0x7, v3;
	v4 =	vand.u32 $0xFFFFFFE0, v43  }
0xc9: {  	v3 =	vor.u32 v3, v4  }
0xca: {  	v4 =	vperm.xlane v3, v0;
	_ =	sdelay $0x1  }
0xcb: {  	v4 =	vadd.s32 v1, v4;
	_ =	sdelay $0x1  }
0xcc: {  	v3 =	vperm.xlane v3, v2;
	_ =	sdelay $0x1  }
0xcd: {  	v3 =	vadd.s32 v1, v3  }
0xce: {  	[tilespmem:s28], [sflag:$0x6] =	stream.indirect_vreg.gather [hbm4b:s1+s3], $0x80, v4, vm0, $0xb8;
	[tilespmem:$0x18200] =	vst v63  }
0xcf: {  	_ = 	snop  }
0xd0: {  	[tilespmem:s29], [sflag:$0x6] =	stream.indirect_vreg.gather [hbm4b:s4+s3], $0x80, v4, vm0, $0xb8;
	[tilespmem:$0x18200] =	vst v63  }
0xd1: {  	s30 =	simm.s32 $0x17200  }
0xd2: {  	[tilespmem:s30], [sflag:$0x6] =	stream.indirect_vreg.gather [hbm4b:s1+s3], $0x80, v3, vm0, $0xb8;
	[tilespmem:$0x18200] =	vst v63  }
0xd3: {  	s30 =	simm.s32 $0x17A00  }
0xd4: {  	[tilespmem:s30], [sflag:$0x6] =	stream.indirect_vreg.gather [hbm4b:s4+s3], $0x80, v3, vm0, $0xb8;
	[tilespmem:$0x18200] =	vst v63  }
0xd5: {  	_ =	swait.ge [sflag:s12], $0x4000  }
0xd6: {  	[sflag:s12] =	ssyncset.done $0x0  }
0xd7: {  	s0 =	rddreg [dreg:$0x5];
	[sflag:s12] =	ssyncadd.s32 $0xFFFFC000  }
0xd8: {  	[hbm4b:s0+s3] =	stream.linear.scatter [tilespmem:s15], [sflag:$0x7], $0x4000, $0x38;
	[tilespmem:$0x18200] =	vst v63  }
0xd9: {  	_ =	swait.ge [sflag:s17], $0x4000  }
0xda: {  	[sflag:s17] =	ssyncset.done $0x0  }
0xdb: {  	[sflag:s17] =	ssyncadd.s32 $0xFFFFC000  }
0xdc: {  	v3 =	vld [tilespmem:$0xC0];
	_ =	sdelay $0x4  }
0xdd: {  	v44 =	vshll.u32 v3, $0x2  }
0xde: {  	v3 =	vand.u32 $0x7, v3;
	v4 =	vand.u32 $0xFFFFFFE0, v44  }
0xdf: {  	v3 =	vor.u32 v3, v4  }
0xe0: {  	v4 =	vperm.xlane v3, v0;
	_ =	sdelay $0x1  }
0xe1: {  	v4 =	vadd.s32 v1, v4;
	_ =	sdelay $0x1  }
0xe2: {  	v3 =	vperm.xlane v3, v2;
	_ =	sdelay $0x1  }
0xe3: {  	v3 =	vadd.s32 v1, v3  }
0xe4: {  	[tilespmem:s15], [sflag:$0x1] =	stream.indirect_vreg.gather [hbm4b:s1+s3], $0x80, v4, vm0, $0xb8;
	[tilespmem:$0x18200] =	vst v63  }
0xe5: {  	s30 =	simm.s32 $0xA00  }
0xe6: {  	[tilespmem:s30], [sflag:$0x1] =	stream.indirect_vreg.gather [hbm4b:s4+s3], $0x80, v4, vm0, $0xb8;
	[tilespmem:$0x18200] =	vst v63  }
0xe7: {  	s30 =	simm.s32 $0x1200  }
0xe8: {  	[tilespmem:s30], [sflag:$0x1] =	stream.indirect_vreg.gather [hbm4b:s1+s3], $0x80, v3, vm0, $0xb8;
	[tilespmem:$0x18200] =	vst v63  }
0xe9: {  	s2 =	simm.s32 $0x1A00  }
0xea: {  	[tilespmem:s2], [sflag:$0x1] =	stream.indirect_vreg.gather [hbm4b:s4+s3], $0x80, v3, vm0, $0xb8;
	[tilespmem:$0x18200] =	vst v63  }
0xeb: {  	v3 =	vld [tilespmem:$0xD0];
	_ =	sdelay $0x4  }
0xec: {  	v45 =	vshll.u32 v3, $0x2  }
0xed: {  	v3 =	vand.u32 $0x7, v3;
	v4 =	vand.u32 $0xFFFFFFE0, v45  }
0xee: {  	v3 =	vor.u32 v3, v4  }
0xef: {  	v4 =	vperm.xlane v3, v0;
	_ =	sdelay $0x1  }
0xf0: {  	v4 =	vadd.s32 v1, v4;
	_ =	sdelay $0x1  }
0xf1: {  	v3 =	vperm.xlane v3, v2;
	_ =	sdelay $0x1  }
0xf2: {  	s2 =	simm.s32 $0x2200;
	v3 =	vadd.s32 v1, v3  }
0xf3: {  	[tilespmem:s2], [sflag:$0x1] =	stream.indirect_vreg.gather [hbm4b:s1+s3], $0x80, v4, vm0, $0xb8;
	[tilespmem:$0x18200] =	vst v63  }
0xf4: {  	s30 =	simm.s32 $0x2A00  }
0xf5: {  	[tilespmem:s30], [sflag:$0x1] =	stream.indirect_vreg.gather [hbm4b:s4+s3], $0x80, v4, vm0, $0xb8;
	[tilespmem:$0x18200] =	vst v63  }
0xf6: {  	s2 =	simm.s32 $0x3200  }
0xf7: {  	[tilespmem:s2], [sflag:$0x1] =	stream.indirect_vreg.gather [hbm4b:s1+s3], $0x80, v3, vm0, $0xb8;
	[tilespmem:$0x18200] =	vst v63  }
0xf8: {  	s16 =	simm.s32 $0x3A00  }
0xf9: {  	[tilespmem:s16], [sflag:$0x1] =	stream.indirect_vreg.gather [hbm4b:s4+s3], $0x80, v3, vm0, $0xb8;
	[tilespmem:$0x18200] =	vst v63  }
0xfa: {  	_ =	swait.ge [sflag:s18], $0x4000  }
0xfb: {  	[sflag:s18] =	ssyncset.done $0x0  }
0xfc: {  	s16 =	rddreg [dreg:$0x6];
	[sflag:s18] =	ssyncadd.s32 $0xFFFFC000  }
0xfd: {  	[hbm4b:s16+s3] =	stream.linear.scatter [tilespmem:s23], [sflag:$0x8], $0x4000, $0x38;
	[tilespmem:$0x18200] =	vst v63  }
0xfe: {  	_ =	swait.ge [sflag:s19], $0x4000  }
0xff: {  	[sflag:s19] =	ssyncset.done $0x0  }
0x100: {  	[sflag:s19] =	ssyncadd.s32 $0xFFFFC000  }
0x101: {  	v3 =	vld [tilespmem:$0xE0];
	_ =	sdelay $0x4  }
0x102: {  	v46 =	vshll.u32 v3, $0x2  }
0x103: {  	v3 =	vand.u32 $0x7, v3;
	v4 =	vand.u32 $0xFFFFFFE0, v46  }
0x104: {  	v3 =	vor.u32 v3, v4  }
0x105: {  	v4 =	vperm.xlane v3, v0;
	_ =	sdelay $0x1  }
0x106: {  	v4 =	vadd.s32 v1, v4;
	_ =	sdelay $0x1  }
0x107: {  	v3 =	vperm.xlane v3, v2;
	_ =	sdelay $0x1  }
0x108: {  	v3 =	vadd.s32 v1, v3  }
0x109: {  	[tilespmem:s23], [sflag:$0x2] =	stream.indirect_vreg.gather [hbm4b:s1+s3], $0x80, v4, vm0, $0xb8;
	[tilespmem:$0x18200] =	vst v63  }
0x10a: {  	s30 =	simm.s32 $0x4A00  }
0x10b: {  	[tilespmem:s30], [sflag:$0x2] =	stream.indirect_vreg.gather [hbm4b:s4+s3], $0x80, v4, vm0, $0xb8;
	[tilespmem:$0x18200] =	vst v63  }
0x10c: {  	s2 =	simm.s32 $0x5200  }
0x10d: {  	[tilespmem:s2], [sflag:$0x2] =	stream.indirect_vreg.gather [hbm4b:s1+s3], $0x80, v3, vm0, $0xb8;
	[tilespmem:$0x18200] =	vst v63  }
0x10e: {  	s16 =	simm.s32 $0x5A00  }
0x10f: {  	[tilespmem:s16], [sflag:$0x2] =	stream.indirect_vreg.gather [hbm4b:s4+s3], $0x80, v3, vm0, $0xb8;
	[tilespmem:$0x18200] =	vst v63  }
0x110: {  	v3 =	vld [tilespmem:$0xF0];
	_ =	sdelay $0x4  }
0x111: {  	v47 =	vshll.u32 v3, $0x2  }
0x112: {  	v3 =	vand.u32 $0x7, v3;
	v4 =	vand.u32 $0xFFFFFFE0, v47  }
0x113: {  	v3 =	vor.u32 v3, v4  }
0x114: {  	v4 =	vperm.xlane v3, v0;
	_ =	sdelay $0x1  }
0x115: {  	v4 =	vadd.s32 v1, v4;
	_ =	sdelay $0x1  }
0x116: {  	v3 =	vperm.xlane v3, v2;
	_ =	sdelay $0x1  }
0x117: {  	s30 =	simm.s32 $0x6200;
	v3 =	vadd.s32 v1, v3  }
0x118: {  	[tilespmem:s30], [sflag:$0x2] =	stream.indirect_vreg.gather [hbm4b:s1+s3], $0x80, v4, vm0, $0xb8;
	[tilespmem:$0x18200] =	vst v63  }
0x119: {  	s2 =	simm.s32 $0x6A00  }
0x11a: {  	[tilespmem:s2], [sflag:$0x2] =	stream.indirect_vreg.gather [hbm4b:s4+s3], $0x80, v4, vm0, $0xb8;
	[tilespmem:$0x18200] =	vst v63  }
0x11b: {  	s16 =	simm.s32 $0x7200  }
0x11c: {  	[tilespmem:s16], [sflag:$0x2] =	stream.indirect_vreg.gather [hbm4b:s1+s3], $0x80, v3, vm0, $0xb8;
	[tilespmem:$0x18200] =	vst v63  }
0x11d: {  	s30 =	simm.s32 $0x7A00  }
0x11e: {  	[tilespmem:s30], [sflag:$0x2] =	stream.indirect_vreg.gather [hbm4b:s4+s3], $0x80, v3, vm0, $0xb8;
	[tilespmem:$0x18200] =	vst v63  }
0x11f: {  	_ =	swait.ge [sflag:s20], $0x4000  }
0x120: {  	[sflag:s20] =	ssyncset.done $0x0  }
0x121: {  	s0 =	rddreg [dreg:$0x7];
	[sflag:s20] =	ssyncadd.s32 $0xFFFFC000  }
0x122: {  	[hbm4b:s0+s3] =	stream.linear.scatter [tilespmem:s6], [sflag:$0x9], $0x4000, $0x38;
	[tilespmem:$0x18200] =	vst v63  }
0x123: {  	_ =	swait.ge [sflag:s21], $0x4000  }
0x124: {  	[sflag:s21] =	ssyncset.done $0x0  }
0x125: {  	[sflag:s21] =	ssyncadd.s32 $0xFFFFC000  }
0x126: {  	v3 =	vld [tilespmem:$0x100];
	_ =	sdelay $0x4  }
0x127: {  	v48 =	vshll.u32 v3, $0x2  }
0x128: {  	v3 =	vand.u32 $0x7, v3;
	v4 =	vand.u32 $0xFFFFFFE0, v48  }
0x129: {  	v3 =	vor.u32 v3, v4  }
0x12a: {  	v4 =	vperm.xlane v3, v0;
	_ =	sdelay $0x1  }
0x12b: {  	v4 =	vadd.s32 v1, v4;
	_ =	sdelay $0x1  }
0x12c: {  	v3 =	vperm.xlane v3, v2;
	_ =	sdelay $0x1  }
0x12d: {  	v3 =	vadd.s32 v1, v3  }
0x12e: {  	[tilespmem:s6], [sflag:$0x3] =	stream.indirect_vreg.gather [hbm4b:s1+s3], $0x80, v4, vm0, $0xb8;
	[tilespmem:$0x18200] =	vst v63  }
0x12f: {  	s2 =	simm.s32 $0x8A00  }
0x130: {  	[tilespmem:s2], [sflag:$0x3] =	stream.indirect_vreg.gather [hbm4b:s4+s3], $0x80, v4, vm0, $0xb8;
	[tilespmem:$0x18200] =	vst v63  }
0x131: {  	s16 =	simm.s32 $0x9200  }
0x132: {  	[tilespmem:s16], [sflag:$0x3] =	stream.indirect_vreg.gather [hbm4b:s1+s3], $0x80, v3, vm0, $0xb8;
	[tilespmem:$0x18200] =	vst v63  }
0x133: {  	s30 =	simm.s32 $0x9A00  }
0x134: {  	[tilespmem:s30], [sflag:$0x3] =	stream.indirect_vreg.gather [hbm4b:s4+s3], $0x80, v3, vm0, $0xb8;
	[tilespmem:$0x18200] =	vst v63  }
0x135: {  	v3 =	vld [tilespmem:$0x110];
	_ =	sdelay $0x4  }
0x136: {  	v49 =	vshll.u32 v3, $0x2  }
0x137: {  	v3 =	vand.u32 $0x7, v3;
	v4 =	vand.u32 $0xFFFFFFE0, v49  }
0x138: {  	v3 =	vor.u32 v3, v4  }
0x139: {  	v4 =	vperm.xlane v3, v0;
	_ =	sdelay $0x1  }
0x13a: {  	v4 =	vadd.s32 v1, v4;
	_ =	sdelay $0x1  }
0x13b: {  	v3 =	vperm.xlane v3, v2;
	_ =	sdelay $0x1  }
0x13c: {  	s2 =	simm.s32 $0xA200;
	v3 =	vadd.s32 v1, v3  }
0x13d: {  	[tilespmem:s2], [sflag:$0x3] =	stream.indirect_vreg.gather [hbm4b:s1+s3], $0x80, v4, vm0, $0xb8;
	[tilespmem:$0x18200] =	vst v63  }
0x13e: {  	s16 =	simm.s32 $0xAA00  }
0x13f: {  	[tilespmem:s16], [sflag:$0x3] =	stream.indirect_vreg.gather [hbm4b:s4+s3], $0x80, v4, vm0, $0xb8;
	[tilespmem:$0x18200] =	vst v63  }
0x140: {  	s30 =	simm.s32 $0xB200  }
0x141: {  	[tilespmem:s30], [sflag:$0x3] =	stream.indirect_vreg.gather [hbm4b:s1+s3], $0x80, v3, vm0, $0xb8;
	[tilespmem:$0x18200] =	vst v63  }
0x142: {  	s2 =	simm.s32 $0xBA00  }
0x143: {  	[tilespmem:s2], [sflag:$0x3] =	stream.indirect_vreg.gather [hbm4b:s4+s3], $0x80, v3, vm0, $0xb8;
	[tilespmem:$0x18200] =	vst v63  }
0x144: {  	_ =	swait.ge [sflag:s22], $0x4000  }
0x145: {  	[sflag:s22] =	ssyncset.done $0x0  }
0x146: {  	s16 =	rddreg [dreg:$0x8];
	[sflag:s22] =	ssyncadd.s32 $0xFFFFC000  }
0x147: {  	[hbm4b:s16+s3] =	stream.linear.scatter [tilespmem:s25], [sflag:$0xA], $0x4000, $0x38;
	[tilespmem:$0x18200] =	vst v63  }
0x148: {  	_ =	swait.ge [sflag:s24], $0x4000  }
0x149: {  	[sflag:s24] =	ssyncset.done $0x0  }
0x14a: {  	[sflag:s24] =	ssyncadd.s32 $0xFFFFC000  }
0x14b: {  	v3 =	vld [tilespmem:$0x120];
	_ =	sdelay $0x4  }
0x14c: {  	v50 =	vshll.u32 v3, $0x2  }
0x14d: {  	v3 =	vand.u32 $0x7, v3;
	v4 =	vand.u32 $0xFFFFFFE0, v50  }
0x14e: {  	v3 =	vor.u32 v3, v4  }
0x14f: {  	v4 =	vperm.xlane v3, v0;
	_ =	sdelay $0x1  }
0x150: {  	v4 =	vadd.s32 v1, v4;
	_ =	sdelay $0x1  }
0x151: {  	v3 =	vperm.xlane v3, v2;
	_ =	sdelay $0x1  }
0x152: {  	v3 =	vadd.s32 v1, v3  }
0x153: {  	[tilespmem:s25], [sflag:$0x4] =	stream.indirect_vreg.gather [hbm4b:s1+s3], $0x80, v4, vm0, $0xb8;
	[tilespmem:$0x18200] =	vst v63  }
0x154: {  	s30 =	simm.s32 $0xCA00  }
0x155: {  	[tilespmem:s30], [sflag:$0x4] =	stream.indirect_vreg.gather [hbm4b:s4+s3], $0x80, v4, vm0, $0xb8;
	[tilespmem:$0x18200] =	vst v63  }
0x156: {  	s2 =	simm.s32 $0xD200  }
0x157: {  	[tilespmem:s2], [sflag:$0x4] =	stream.indirect_vreg.gather [hbm4b:s1+s3], $0x80, v3, vm0, $0xb8;
	[tilespmem:$0x18200] =	vst v63  }
0x158: {  	s16 =	simm.s32 $0xDA00  }
0x159: {  	[tilespmem:s16], [sflag:$0x4] =	stream.indirect_vreg.gather [hbm4b:s4+s3], $0x80, v3, vm0, $0xb8;
	[tilespmem:$0x18200] =	vst v63  }
0x15a: {  	v3 =	vld [tilespmem:$0x130];
	_ =	sdelay $0x4  }
0x15b: {  	v51 =	vshll.u32 v3, $0x2  }
0x15c: {  	v3 =	vand.u32 $0x7, v3;
	v4 =	vand.u32 $0xFFFFFFE0, v51  }
0x15d: {  	v3 =	vor.u32 v3, v4  }
0x15e: {  	v4 =	vperm.xlane v3, v0;
	_ =	sdelay $0x1  }
0x15f: {  	v4 =	vadd.s32 v1, v4;
	_ =	sdelay $0x1  }
0x160: {  	v3 =	vperm.xlane v3, v2;
	_ =	sdelay $0x1  }
0x161: {  	s30 =	simm.s32 $0xE200;
	v3 =	vadd.s32 v1, v3  }
0x162: {  	[tilespmem:s30], [sflag:$0x4] =	stream.indirect_vreg.gather [hbm4b:s1+s3], $0x80, v4, vm0, $0xb8;
	[tilespmem:$0x18200] =	vst v63  }
0x163: {  	s2 =	simm.s32 $0xEA00  }
0x164: {  	[tilespmem:s2], [sflag:$0x4] =	stream.indirect_vreg.gather [hbm4b:s4+s3], $0x80, v4, vm0, $0xb8;
	[tilespmem:$0x18200] =	vst v63  }
0x165: {  	s16 =	simm.s32 $0xF200  }
0x166: {  	[tilespmem:s16], [sflag:$0x4] =	stream.indirect_vreg.gather [hbm4b:s1+s3], $0x80, v3, vm0, $0xb8;
	[tilespmem:$0x18200] =	vst v63  }
0x167: {  	s0 =	simm.s32 $0x5;
	s30 =	simm.s32 $0xFA00  }
0x168: {  	[tilespmem:s30], [sflag:$0x4] =	stream.indirect_vreg.gather [hbm4b:s4+s3], $0x80, v3, vm0, $0xb8;
	[tilespmem:$0x18200] =	vst v63  }
0x169: {  	_ =	swait.ge [sflag:s0], $0x4000  }
0x16a: {  	[sflag:s0] =	ssyncset.done $0x0  }
0x16b: {  	s16 =	simm.s32 $0x10200;
	s2 =	rddreg [dreg:$0x9];
	[sflag:s0] =	ssyncadd.s32 $0xFFFFC000  }
0x16c: {  	[hbm4b:s2+s3] =	stream.linear.scatter [tilespmem:s16], [sflag:$0xB], $0x4000, $0x38;
	[tilespmem:$0x18200] =	vst v63  }
0x16d: {  	s2 =	simm.s32 $0xB  }
0x16e: {  	_ =	swait.ge [sflag:s2], $0x4000  }
0x16f: {  	[sflag:s2] =	ssyncset.done $0x0  }
0x170: {  	[sflag:s2] =	ssyncadd.s32 $0xFFFFC000  }
0x171: {  	v3 =	vld [tilespmem:$0x140];
	_ =	sdelay $0x4  }
0x172: {  	v52 =	vshll.u32 v3, $0x2  }
0x173: {  	v3 =	vand.u32 $0x7, v3;
	v4 =	vand.u32 $0xFFFFFFE0, v52  }
0x174: {  	v3 =	vor.u32 v3, v4  }
0x175: {  	v4 =	vperm.xlane v3, v0;
	_ =	sdelay $0x1  }
0x176: {  	v4 =	vadd.s32 v1, v4;
	_ =	sdelay $0x1  }
0x177: {  	v3 =	vperm.xlane v3, v2;
	_ =	sdelay $0x1  }
0x178: {  	v3 =	vadd.s32 v1, v3  }
0x179: {  	[tilespmem:s16], [sflag:$0x5] =	stream.indirect_vreg.gather [hbm4b:s1+s3], $0x80, v4, vm0, $0xb8;
	[tilespmem:$0x18200] =	vst v63  }
0x17a: {  	_ = 	snop  }
0x17b: {  	[tilespmem:s7], [sflag:$0x5] =	stream.indirect_vreg.gather [hbm4b:s4+s3], $0x80, v4, vm0, $0xb8;
	[tilespmem:$0x18200] =	vst v63  }
0x17c: {  	_ = 	snop  }
0x17d: {  	[tilespmem:s13], [sflag:$0x5] =	stream.indirect_vreg.gather [hbm4b:s1+s3], $0x80, v3, vm0, $0xb8;
	[tilespmem:$0x18200] =	vst v63  }
0x17e: {  	_ = 	snop  }
0x17f: {  	[tilespmem:s14], [sflag:$0x5] =	stream.indirect_vreg.gather [hbm4b:s4+s3], $0x80, v3, vm0, $0xb8;
	[tilespmem:$0x18200] =	vst v63  }
0x180: {  	v3 =	vld [tilespmem:$0x150];
	_ =	sdelay $0x4  }
0x181: {  	v53 =	vshll.u32 v3, $0x2  }
0x182: {  	v3 =	vand.u32 $0x7, v3;
	v4 =	vand.u32 $0xFFFFFFE0, v53  }
0x183: {  	v3 =	vor.u32 v3, v4  }
0x184: {  	v4 =	vperm.xlane v3, v0;
	_ =	sdelay $0x1  }
0x185: {  	v4 =	vadd.s32 v1, v4;
	_ =	sdelay $0x1  }
0x186: {  	v3 =	vperm.xlane v3, v2;
	_ =	sdelay $0x1  }
0x187: {  	v3 =	vadd.s32 v1, v3  }
0x188: {  	[tilespmem:s11], [sflag:$0x5] =	stream.indirect_vreg.gather [hbm4b:s1+s3], $0x80, v4, vm0, $0xb8;
	[tilespmem:$0x18200] =	vst v63  }
0x189: {  	_ = 	snop  }
0x18a: {  	[tilespmem:s8], [sflag:$0x5] =	stream.indirect_vreg.gather [hbm4b:s4+s3], $0x80, v4, vm0, $0xb8;
	[tilespmem:$0x18200] =	vst v63  }
0x18b: {  	_ = 	snop  }
0x18c: {  	[tilespmem:s9], [sflag:$0x5] =	stream.indirect_vreg.gather [hbm4b:s1+s3], $0x80, v3, vm0, $0xb8;
	[tilespmem:$0x18200] =	vst v63  }
0x18d: {  	s7 =	simm.s32 $0x6  }
0x18e: {  	[tilespmem:s10], [sflag:$0x5] =	stream.indirect_vreg.gather [hbm4b:s4+s3], $0x80, v3, vm0, $0xb8;
	[tilespmem:$0x18200] =	vst v63  }
0x18f: {  	_ =	swait.ge [sflag:s7], $0x4000  }
0x190: {  	s8 =	simm.s32 $0xC;
	[sflag:s7] =	ssyncset.done $0x0  }
0x191: {  	s10 =	simm.s32 $0x14200;
	s9 =	rddreg [dreg:$0xa];
	[sflag:s7] =	ssyncadd.s32 $0xFFFFC000  }
0x192: {  	[hbm4b:s9+s3] =	stream.linear.scatter [tilespmem:s10], [sflag:$0xC], $0x4000, $0x38;
	[tilespmem:$0x18200] =	vst v63  }
0x193: {  	_ =	swait.ge [sflag:s8], $0x4000  }
0x194: {  	[sflag:s8] =	ssyncset.done $0x0  }
0x195: {  	[sflag:s8] =	ssyncadd.s32 $0xFFFFC000  }
0x196: {  	v3 =	vld [tilespmem:$0x160];
	_ =	sdelay $0x4  }
0x197: {  	v54 =	vshll.u32 v3, $0x2  }
0x198: {  	v3 =	vand.u32 $0x7, v3;
	v4 =	vand.u32 $0xFFFFFFE0, v54  }
0x199: {  	v3 =	vor.u32 v3, v4  }
0x19a: {  	v4 =	vperm.xlane v3, v0;
	_ =	sdelay $0x1  }
0x19b: {  	v4 =	vadd.s32 v1, v4;
	_ =	sdelay $0x1  }
0x19c: {  	v3 =	vperm.xlane v3, v2;
	_ =	sdelay $0x1  }
0x19d: {  	v3 =	vadd.s32 v1, v3  }
0x19e: {  	[tilespmem:s10], [sflag:$0x6] =	stream.indirect_vreg.gather [hbm4b:s1+s3], $0x80, v4, vm0, $0xb8;
	[tilespmem:$0x18200] =	vst v63  }
0x19f: {  	s30 =	simm.s32 $0x14A00  }
0x1a0: {  	[tilespmem:s30], [sflag:$0x6] =	stream.indirect_vreg.gather [hbm4b:s4+s3], $0x80, v4, vm0, $0xb8;
	[tilespmem:$0x18200] =	vst v63  }
0x1a1: {  	_ = 	snop  }
0x1a2: {  	[tilespmem:s31], [sflag:$0x6] =	stream.indirect_vreg.gather [hbm4b:s1+s3], $0x80, v3, vm0, $0xb8;
	[tilespmem:$0x18200] =	vst v63  }
0x1a3: {  	_ = 	snop  }
0x1a4: {  	[tilespmem:s26], [sflag:$0x6] =	stream.indirect_vreg.gather [hbm4b:s4+s3], $0x80, v3, vm0, $0xb8;
	[tilespmem:$0x18200] =	vst v63  }
0x1a5: {  	v3 =	vld [tilespmem:$0x170];
	_ =	sdelay $0x4  }
0x1a6: {  	v55 =	vshll.u32 v3, $0x2  }
0x1a7: {  	v3 =	vand.u32 $0x7, v3;
	v4 =	vand.u32 $0xFFFFFFE0, v55  }
0x1a8: {  	v3 =	vor.u32 v3, v4  }
0x1a9: {  	v4 =	vperm.xlane v3, v0;
	_ =	sdelay $0x1  }
0x1aa: {  	v4 =	vadd.s32 v1, v4;
	_ =	sdelay $0x1  }
0x1ab: {  	v3 =	vperm.xlane v3, v2;
	_ =	sdelay $0x1  }
0x1ac: {  	v3 =	vadd.s32 v1, v3  }
0x1ad: {  	[tilespmem:s28], [sflag:$0x6] =	stream.indirect_vreg.gather [hbm4b:s1+s3], $0x80, v4, vm0, $0xb8;
	[tilespmem:$0x18200] =	vst v63  }
0x1ae: {  	_ = 	snop  }
0x1af: {  	[tilespmem:s29], [sflag:$0x6] =	stream.indirect_vreg.gather [hbm4b:s4+s3], $0x80, v4, vm0, $0xb8;
	[tilespmem:$0x18200] =	vst v63  }
0x1b0: {  	s30 =	simm.s32 $0x17200  }
0x1b1: {  	[tilespmem:s30], [sflag:$0x6] =	stream.indirect_vreg.gather [hbm4b:s1+s3], $0x80, v3, vm0, $0xb8;
	[tilespmem:$0x18200] =	vst v63  }
0x1b2: {  	s30 =	simm.s32 $0x17A00  }
0x1b3: {  	[tilespmem:s30], [sflag:$0x6] =	stream.indirect_vreg.gather [hbm4b:s4+s3], $0x80, v3, vm0, $0xb8;
	[tilespmem:$0x18200] =	vst v63  }
0x1b4: {  	_ =	swait.ge [sflag:s12], $0x4000  }
0x1b5: {  	[sflag:s12] =	ssyncset.done $0x0  }
0x1b6: {  	s10 =	rddreg [dreg:$0xb];
	[sflag:s12] =	ssyncadd.s32 $0xFFFFC000  }
0x1b7: {  	[hbm4b:s10+s3] =	stream.linear.scatter [tilespmem:s15], [sflag:$0x7], $0x4000, $0x38;
	[tilespmem:$0x18200] =	vst v63  }
0x1b8: {  	_ =	swait.ge [sflag:s17], $0x4000  }
0x1b9: {  	[sflag:s17] =	ssyncset.done $0x0  }
0x1ba: {  	[sflag:s17] =	ssyncadd.s32 $0xFFFFC000  }
0x1bb: {  	v3 =	vld [tilespmem:$0x180];
	_ =	sdelay $0x4  }
0x1bc: {  	v56 =	vshll.u32 v3, $0x2  }
0x1bd: {  	v3 =	vand.u32 $0x7, v3;
	v4 =	vand.u32 $0xFFFFFFE0, v56  }
0x1be: {  	v3 =	vor.u32 v3, v4  }
0x1bf: {  	v4 =	vperm.xlane v3, v0;
	_ =	sdelay $0x1  }
0x1c0: {  	v4 =	vadd.s32 v1, v4;
	_ =	sdelay $0x1  }
0x1c1: {  	v3 =	vperm.xlane v3, v2;
	_ =	sdelay $0x1  }
0x1c2: {  	v3 =	vadd.s32 v1, v3  }
0x1c3: {  	[tilespmem:s15], [sflag:$0x1] =	stream.indirect_vreg.gather [hbm4b:s1+s3], $0x80, v4, vm0, $0xb8;
	[tilespmem:$0x18200] =	vst v63  }
0x1c4: {  	s30 =	simm.s32 $0xA00  }
0x1c5: {  	[tilespmem:s30], [sflag:$0x1] =	stream.indirect_vreg.gather [hbm4b:s4+s3], $0x80, v4, vm0, $0xb8;
	[tilespmem:$0x18200] =	vst v63  }
0x1c6: {  	s30 =	simm.s32 $0x1200  }
0x1c7: {  	[tilespmem:s30], [sflag:$0x1] =	stream.indirect_vreg.gather [hbm4b:s1+s3], $0x80, v3, vm0, $0xb8;
	[tilespmem:$0x18200] =	vst v63  }
0x1c8: {  	s30 =	simm.s32 $0x1A00  }
0x1c9: {  	[tilespmem:s30], [sflag:$0x1] =	stream.indirect_vreg.gather [hbm4b:s4+s3], $0x80, v3, vm0, $0xb8;
	[tilespmem:$0x18200] =	vst v63  }
0x1ca: {  	v3 =	vld [tilespmem:$0x190];
	_ =	sdelay $0x4  }
0x1cb: {  	v57 =	vshll.u32 v3, $0x2  }
0x1cc: {  	v3 =	vand.u32 $0x7, v3;
	v4 =	vand.u32 $0xFFFFFFE0, v57  }
0x1cd: {  	v3 =	vor.u32 v3, v4  }
0x1ce: {  	v4 =	vperm.xlane v3, v0;
	_ =	sdelay $0x1  }
0x1cf: {  	v4 =	vadd.s32 v1, v4;
	_ =	sdelay $0x1  }
0x1d0: {  	v3 =	vperm.xlane v3, v2;
	_ =	sdelay $0x1  }
0x1d1: {  	s30 =	simm.s32 $0x2200;
	v3 =	vadd.s32 v1, v3  }
0x1d2: {  	[tilespmem:s30], [sflag:$0x1] =	stream.indirect_vreg.gather [hbm4b:s1+s3], $0x80, v4, vm0, $0xb8;
	[tilespmem:$0x18200] =	vst v63  }
0x1d3: {  	s30 =	simm.s32 $0x2A00  }
0x1d4: {  	[tilespmem:s30], [sflag:$0x1] =	stream.indirect_vreg.gather [hbm4b:s4+s3], $0x80, v4, vm0, $0xb8;
	[tilespmem:$0x18200] =	vst v63  }
0x1d5: {  	s30 =	simm.s32 $0x3200  }
0x1d6: {  	[tilespmem:s30], [sflag:$0x1] =	stream.indirect_vreg.gather [hbm4b:s1+s3], $0x80, v3, vm0, $0xb8;
	[tilespmem:$0x18200] =	vst v63  }
0x1d7: {  	s30 =	simm.s32 $0x3A00  }
0x1d8: {  	[tilespmem:s30], [sflag:$0x1] =	stream.indirect_vreg.gather [hbm4b:s4+s3], $0x80, v3, vm0, $0xb8;
	[tilespmem:$0x18200] =	vst v63  }
0x1d9: {  	_ =	swait.ge [sflag:s18], $0x4000  }
0x1da: {  	[sflag:s18] =	ssyncset.done $0x0  }
0x1db: {  	s10 =	rddreg [dreg:$0xc];
	[sflag:s18] =	ssyncadd.s32 $0xFFFFC000  }
0x1dc: {  	[hbm4b:s10+s3] =	stream.linear.scatter [tilespmem:s23], [sflag:$0x8], $0x4000, $0x38;
	[tilespmem:$0x18200] =	vst v63  }
0x1dd: {  	_ =	swait.ge [sflag:s19], $0x4000  }
0x1de: {  	[sflag:s19] =	ssyncset.done $0x0  }
0x1df: {  	[sflag:s19] =	ssyncadd.s32 $0xFFFFC000  }
0x1e0: {  	v3 =	vld [tilespmem:$0x1A0];
	_ =	sdelay $0x4  }
0x1e1: {  	v58 =	vshll.u32 v3, $0x2  }
0x1e2: {  	v3 =	vand.u32 $0x7, v3;
	v4 =	vand.u32 $0xFFFFFFE0, v58  }
0x1e3: {  	v3 =	vor.u32 v3, v4  }
0x1e4: {  	v4 =	vperm.xlane v3, v0;
	_ =	sdelay $0x1  }
0x1e5: {  	v4 =	vadd.s32 v1, v4;
	_ =	sdelay $0x1  }
0x1e6: {  	v3 =	vperm.xlane v3, v2;
	_ =	sdelay $0x1  }
0x1e7: {  	v3 =	vadd.s32 v1, v3  }
0x1e8: {  	[tilespmem:s23], [sflag:$0x2] =	stream.indirect_vreg.gather [hbm4b:s1+s3], $0x80, v4, vm0, $0xb8;
	[tilespmem:$0x18200] =	vst v63  }
0x1e9: {  	s30 =	simm.s32 $0x4A00  }
0x1ea: {  	[tilespmem:s30], [sflag:$0x2] =	stream.indirect_vreg.gather [hbm4b:s4+s3], $0x80, v4, vm0, $0xb8;
	[tilespmem:$0x18200] =	vst v63  }
0x1eb: {  	s30 =	simm.s32 $0x5200  }
0x1ec: {  	[tilespmem:s30], [sflag:$0x2] =	stream.indirect_vreg.gather [hbm4b:s1+s3], $0x80, v3, vm0, $0xb8;
	[tilespmem:$0x18200] =	vst v63  }
0x1ed: {  	s30 =	simm.s32 $0x5A00  }
0x1ee: {  	[tilespmem:s30], [sflag:$0x2] =	stream.indirect_vreg.gather [hbm4b:s4+s3], $0x80, v3, vm0, $0xb8;
	[tilespmem:$0x18200] =	vst v63  }
0x1ef: {  	v3 =	vld [tilespmem:$0x1B0];
	_ =	sdelay $0x4  }
0x1f0: {  	v59 =	vshll.u32 v3, $0x2  }
0x1f1: {  	v3 =	vand.u32 $0x7, v3;
	v4 =	vand.u32 $0xFFFFFFE0, v59  }
0x1f2: {  	v3 =	vor.u32 v3, v4  }
0x1f3: {  	v4 =	vperm.xlane v3, v0;
	_ =	sdelay $0x1  }
0x1f4: {  	v4 =	vadd.s32 v1, v4;
	_ =	sdelay $0x1  }
0x1f5: {  	v3 =	vperm.xlane v3, v2;
	_ =	sdelay $0x1  }
0x1f6: {  	s30 =	simm.s32 $0x6200;
	v3 =	vadd.s32 v1, v3  }
0x1f7: {  	[tilespmem:s30], [sflag:$0x2] =	stream.indirect_vreg.gather [hbm4b:s1+s3], $0x80, v4, vm0, $0xb8;
	[tilespmem:$0x18200] =	vst v63  }
0x1f8: {  	s30 =	simm.s32 $0x6A00  }
0x1f9: {  	[tilespmem:s30], [sflag:$0x2] =	stream.indirect_vreg.gather [hbm4b:s4+s3], $0x80, v4, vm0, $0xb8;
	[tilespmem:$0x18200] =	vst v63  }
0x1fa: {  	s30 =	simm.s32 $0x7200  }
0x1fb: {  	[tilespmem:s30], [sflag:$0x2] =	stream.indirect_vreg.gather [hbm4b:s1+s3], $0x80, v3, vm0, $0xb8;
	[tilespmem:$0x18200] =	vst v63  }
0x1fc: {  	s30 =	simm.s32 $0x7A00  }
0x1fd: {  	[tilespmem:s30], [sflag:$0x2] =	stream.indirect_vreg.gather [hbm4b:s4+s3], $0x80, v3, vm0, $0xb8;
	[tilespmem:$0x18200] =	vst v63  }
0x1fe: {  	_ =	swait.ge [sflag:s20], $0x4000  }
0x1ff: {  	[sflag:s20] =	ssyncset.done $0x0  }
0x200: {  	s10 =	rddreg [dreg:$0xd];
	[sflag:s20] =	ssyncadd.s32 $0xFFFFC000  }
0x201: {  	[hbm4b:s10+s3] =	stream.linear.scatter [tilespmem:s6], [sflag:$0x9], $0x4000, $0x38;
	[tilespmem:$0x18200] =	vst v63  }
0x202: {  	_ =	swait.ge [sflag:s21], $0x4000  }
0x203: {  	[sflag:s21] =	ssyncset.done $0x0  }
0x204: {  	[sflag:s21] =	ssyncadd.s32 $0xFFFFC000  }
0x205: {  	v3 =	vld [tilespmem:$0x1C0];
	_ =	sdelay $0x4  }
0x206: {  	v60 =	vshll.u32 v3, $0x2  }
0x207: {  	v3 =	vand.u32 $0x7, v3;
	v4 =	vand.u32 $0xFFFFFFE0, v60  }
0x208: {  	v3 =	vor.u32 v3, v4  }
0x209: {  	v4 =	vperm.xlane v3, v0;
	_ =	sdelay $0x1  }
0x20a: {  	v4 =	vadd.s32 v1, v4;
	_ =	sdelay $0x1  }
0x20b: {  	v3 =	vperm.xlane v3, v2;
	_ =	sdelay $0x1  }
0x20c: {  	v3 =	vadd.s32 v1, v3  }
0x20d: {  	[tilespmem:s6], [sflag:$0x3] =	stream.indirect_vreg.gather [hbm4b:s1+s3], $0x80, v4, vm0, $0xb8;
	[tilespmem:$0x18200] =	vst v63  }
0x20e: {  	s30 =	simm.s32 $0x8A00  }
0x20f: {  	[tilespmem:s30], [sflag:$0x3] =	stream.indirect_vreg.gather [hbm4b:s4+s3], $0x80, v4, vm0, $0xb8;
	[tilespmem:$0x18200] =	vst v63  }
0x210: {  	s30 =	simm.s32 $0x9200  }
0x211: {  	[tilespmem:s30], [sflag:$0x3] =	stream.indirect_vreg.gather [hbm4b:s1+s3], $0x80, v3, vm0, $0xb8;
	[tilespmem:$0x18200] =	vst v63  }
0x212: {  	s30 =	simm.s32 $0x9A00  }
0x213: {  	[tilespmem:s30], [sflag:$0x3] =	stream.indirect_vreg.gather [hbm4b:s4+s3], $0x80, v3, vm0, $0xb8;
	[tilespmem:$0x18200] =	vst v63  }
0x214: {  	v3 =	vld [tilespmem:$0x1D0];
	_ =	sdelay $0x4  }
0x215: {  	v61 =	vshll.u32 v3, $0x2  }
0x216: {  	v3 =	vand.u32 $0x7, v3;
	v4 =	vand.u32 $0xFFFFFFE0, v61  }
0x217: {  	v3 =	vor.u32 v3, v4  }
0x218: {  	v4 =	vperm.xlane v3, v0;
	_ =	sdelay $0x1  }
0x219: {  	v4 =	vadd.s32 v1, v4;
	_ =	sdelay $0x1  }
0x21a: {  	v3 =	vperm.xlane v3, v2;
	_ =	sdelay $0x1  }
0x21b: {  	s30 =	simm.s32 $0xA200;
	v3 =	vadd.s32 v1, v3  }
0x21c: {  	[tilespmem:s30], [sflag:$0x3] =	stream.indirect_vreg.gather [hbm4b:s1+s3], $0x80, v4, vm0, $0xb8;
	[tilespmem:$0x18200] =	vst v63  }
0x21d: {  	s30 =	simm.s32 $0xAA00  }
0x21e: {  	[tilespmem:s30], [sflag:$0x3] =	stream.indirect_vreg.gather [hbm4b:s4+s3], $0x80, v4, vm0, $0xb8;
	[tilespmem:$0x18200] =	vst v63  }
0x21f: {  	s30 =	simm.s32 $0xB200  }
0x220: {  	[tilespmem:s30], [sflag:$0x3] =	stream.indirect_vreg.gather [hbm4b:s1+s3], $0x80, v3, vm0, $0xb8;
	[tilespmem:$0x18200] =	vst v63  }
0x221: {  	s30 =	simm.s32 $0xBA00  }
0x222: {  	[tilespmem:s30], [sflag:$0x3] =	stream.indirect_vreg.gather [hbm4b:s4+s3], $0x80, v3, vm0, $0xb8;
	[tilespmem:$0x18200] =	vst v63  }
0x223: {  	_ =	swait.ge [sflag:s22], $0x4000  }
0x224: {  	[sflag:s22] =	ssyncset.done $0x0  }
0x225: {  	s10 =	rddreg [dreg:$0xe];
	[sflag:s22] =	ssyncadd.s32 $0xFFFFC000  }
0x226: {  	[hbm4b:s10+s3] =	stream.linear.scatter [tilespmem:s25], [sflag:$0xA], $0x4000, $0x38;
	[tilespmem:$0x18200] =	vst v63  }
0x227: {  	_ =	swait.ge [sflag:s24], $0x4000  }
0x228: {  	[sflag:s24] =	ssyncset.done $0x0  }
0x229: {  	[sflag:s24] =	ssyncadd.s32 $0xFFFFC000  }
0x22a: {  	v3 =	vld [tilespmem:$0x1E0];
	_ =	sdelay $0x4  }
0x22b: {  	v62 =	vshll.u32 v3, $0x2  }
0x22c: {  	v3 =	vand.u32 $0x7, v3;
	v4 =	vand.u32 $0xFFFFFFE0, v62  }
0x22d: {  	v3 =	vor.u32 v3, v4  }
0x22e: {  	v4 =	vperm.xlane v3, v0;
	_ =	sdelay $0x1  }
0x22f: {  	v4 =	vadd.s32 v1, v4;
	_ =	sdelay $0x1  }
0x230: {  	v3 =	vperm.xlane v3, v2;
	_ =	sdelay $0x1  }
0x231: {  	v3 =	vadd.s32 v1, v3  }
0x232: {  	[tilespmem:s25], [sflag:$0x4] =	stream.indirect_vreg.gather [hbm4b:s1+s3], $0x80, v4, vm0, $0xb8;
	[tilespmem:$0x18200] =	vst v63  }
0x233: {  	s30 =	simm.s32 $0xCA00  }
0x234: {  	[tilespmem:s30], [sflag:$0x4] =	stream.indirect_vreg.gather [hbm4b:s4+s3], $0x80, v4, vm0, $0xb8;
	[tilespmem:$0x18200] =	vst v63  }
0x235: {  	s30 =	simm.s32 $0xD200  }
0x236: {  	[tilespmem:s30], [sflag:$0x4] =	stream.indirect_vreg.gather [hbm4b:s1+s3], $0x80, v3, vm0, $0xb8;
	[tilespmem:$0x18200] =	vst v63  }
0x237: {  	s30 =	simm.s32 $0xDA00  }
0x238: {  	[tilespmem:s30], [sflag:$0x4] =	stream.indirect_vreg.gather [hbm4b:s4+s3], $0x80, v3, vm0, $0xb8;
	[tilespmem:$0x18200] =	vst v63  }
0x239: {  	v3 =	vld [tilespmem:$0x1F0];
	_ =	sdelay $0x4  }
0x23a: {  	v63 =	vshll.u32 v3, $0x2  }
0x23b: {  	v3 =	vand.u32 $0x7, v3;
	v4 =	vand.u32 $0xFFFFFFE0, v63  }
0x23c: {  	v3 =	vor.u32 v3, v4  }
0x23d: {  	v4 =	vperm.xlane v3, v0;
	_ =	sdelay $0x1  }
0x23e: {  	v4 =	vadd.s32 v1, v4;
	_ =	sdelay $0x1  }
0x23f: {  	v3 =	vperm.xlane v3, v2;
	_ =	sdelay $0x1  }
0x240: {  	s30 =	simm.s32 $0xE200;
	v3 =	vadd.s32 v1, v3  }
0x241: {  	[tilespmem:s30], [sflag:$0x4] =	stream.indirect_vreg.gather [hbm4b:s1+s3], $0x80, v4, vm0, $0xb8;
	[tilespmem:$0x18200] =	vst v63  }
0x242: {  	s30 =	simm.s32 $0xEA00  }
0x243: {  	[tilespmem:s30], [sflag:$0x4] =	stream.indirect_vreg.gather [hbm4b:s4+s3], $0x80, v4, vm0, $0xb8;
	[tilespmem:$0x18200] =	vst v63  }
0x244: {  	s30 =	simm.s32 $0xF200  }
0x245: {  	[tilespmem:s30], [sflag:$0x4] =	stream.indirect_vreg.gather [hbm4b:s1+s3], $0x80, v3, vm0, $0xb8;
	[tilespmem:$0x18200] =	vst v63  }
0x246: {  	s30 =	simm.s32 $0xFA00  }
0x247: {  	[tilespmem:s30], [sflag:$0x4] =	stream.indirect_vreg.gather [hbm4b:s4+s3], $0x80, v3, vm0, $0xb8;
	[tilespmem:$0x18200] =	vst v63  }
0x248: {  	_ =	swait.ge [sflag:s0], $0x4000  }
0x249: {  	[sflag:s0] =	ssyncset.done $0x0  }
0x24a: {  	s16 =	simm.s32 $0x10200;
	s10 =	rddreg [dreg:$0xf];
	[sflag:s0] =	ssyncadd.s32 $0xFFFFC000  }
0x24b: {  	[hbm4b:s10+s3] =	stream.linear.scatter [tilespmem:s16], [sflag:$0xB], $0x4000, $0x38;
	[tilespmem:$0x18200] =	vst v63  }
0x24c: {  	_ =	swait.ge [sflag:s7], $0x4000  }
0x24d: {  	[sflag:s7] =	ssyncset.done $0x0  }
0x24e: {  	s9 =	simm.s32 $0x14200;
	s0 =	rddreg [dreg:$0x10];
	[sflag:s7] =	ssyncadd.s32 $0xFFFFC000  }
0x24f: {  	[hbm4b:s0+s3] =	stream.linear.scatter [tilespmem:s9], [sflag:$0xC], $0x4000, $0x38;
	[tilespmem:$0x18200] =	vst v63  }
0x250: {  	_ =	swait.ge [sflag:s12], $0x4000  }
0x251: {  	[sflag:s12] =	ssyncset.done $0x0  }
0x252: {  	s7 =	rddreg [dreg:$0x11];
	[sflag:s12] =	ssyncadd.s32 $0xFFFFC000  }
0x253: {  	[hbm4b:s7+s3] =	stream.linear.scatter [tilespmem:s15], [sflag:$0x7], $0x4000, $0x38;
	[tilespmem:$0x18200] =	vst v63  }
0x254: {  	_ =	swait.ge [sflag:s18], $0x4000  }
0x255: {  	[sflag:s18] =	ssyncset.done $0x0  }
0x256: {  	s9 =	rddreg [dreg:$0x12];
	[sflag:s18] =	ssyncadd.s32 $0xFFFFC000  }
0x257: {  	[hbm4b:s9+s3] =	stream.linear.scatter [tilespmem:s23], [sflag:$0x8], $0x4000, $0x38;
	[tilespmem:$0x18200] =	vst v63  }
0x258: {  	_ =	swait.ge [sflag:s20], $0x4000  }
0x259: {  	[sflag:s20] =	ssyncset.done $0x0  }
0x25a: {  	s10 =	rddreg [dreg:$0x13];
	[sflag:s20] =	ssyncadd.s32 $0xFFFFC000  }
0x25b: {  	[hbm4b:s10+s3] =	stream.linear.scatter [tilespmem:s6], [sflag:$0x9], $0x4000, $0x38;
	[tilespmem:$0x18200] =	vst v63  }
0x25c: {  	_ =	swait.ge [sflag:s22], $0x4000  }
0x25d: {  	[sflag:s22] =	ssyncset.done $0x0  }
0x25e: {  	s16 =	rddreg [dreg:$0x14];
	[sflag:s22] =	ssyncadd.s32 $0xFFFFC000  }
0x25f: {  	[hbm4b:s16+s3] =	stream.linear.scatter [tilespmem:s25], [sflag:$0xA], $0x4000, $0x38;
	[tilespmem:$0x18200] =	vst v63  }
0x260: {  	_ =	swait.ge [sflag:s2], $0x4000  }
0x261: {  	[sflag:s2] =	ssyncset.done $0x0  }
0x262: {  	[sflag:s2] =	ssyncadd.s32 $0xFFFFC000  }
0x263: {  	_ =	swait.ge [sflag:s8], $0x4000  }
0x264: {  	[sflag:s8] =	ssyncset.done $0x0  }
0x265: {  	[sflag:s8] =	ssyncadd.s32 $0xFFFFC000  }
0x266: {  	_ =	swait.ge [sflag:s17], $0x4000  }
0x267: {  	[sflag:s17] =	ssyncset.done $0x0  }
0x268: {  	[sflag:s17] =	ssyncadd.s32 $0xFFFFC000  }
0x269: {  	_ =	swait.ge [sflag:s19], $0x4000  }
0x26a: {  	[sflag:s19] =	ssyncset.done $0x0  }
0x26b: {  	[sflag:s19] =	ssyncadd.s32 $0xFFFFC000  }
0x26c: {  	p0 =	sne.s32 s5, $0x1;
	_ =	swait.ge [sflag:s21], $0x4000  }
.Ltmp0:
0x26d: {  	[sflag:s21] =	ssyncset.done $0x0;
	(pc) =	sbr.rel @p0 .LBB2_1-.Ltmp0, $4  }
0x26e: {  	[sflag:s21] =	ssyncadd.s32 $0xFFFFC000  }
0x26f: {  	_ =	swait.ge [sflag:s24], $0x4000  }
0x270: {  	[sflag:s24] =	ssyncset.done $0x0  }
0x271: {  	s5 =	sadd.s32 $0xFFFFFFFF, s5;
	[sflag:s24] =	ssyncadd.s32 $0xFFFFC000  }
0x272: {  	_ =	sfence.sel $0x180000  }
0x273: {  	[bflag:$0x0] =	sbarrier.arrive $0xFFFF  }
0x274: {  	_ =	strace $0x90000047  }
0x275: {  	s0 =	stileid.u32;
	[bflag:$0x2] =	sbarrier.arrive $0xFFFF  }
0x276: {  	p0 =	sne.s32 s0, $0x0;
	s0 =	rddreg [dreg:$0x3]  }
0x277: {  	s0 =	sadd.s32 @!p0 $0x100000, s0  }
0x278: {  	[sflag:s0] =	ssyncadd.tile.s32 @!p0 $0x1;
	_ =	shalt  }
.Lfunc_end2:
_tile_overlayer_lowered:
.L_overlay_start_2:
0x279: {  	(tag) =	ssettag $0x2  }
0x27a: {  	s0 =	rddreg [dreg:$0x0];
	s2 =	stileid.u32  }
0x27b: {  	s1 =	rddreg [dreg:$0x1];
	p0 =	sne.s32 s2, $0x0  }
0x27c: {  	s3 =	rddreg [dreg:$0x2];
	[bflag:$0x3] =	sbarrier.arrive $0xFFFF;
	s2 =	simm.s32 @!p0 $0x1C0D  }
0x27d: {  	[timem:s3], [sflag:s2] =	dma.local @!p0 [hbm:s0], s1  }
0x27e: {  	s0 =	simm.s32 @!p0 $0xD  }
0x27f: {  	_ =	swait.ge @!p0 [sflag:s0], s1  }
0x280: {  	s1 =	ssub.s32 @!p0 $0x0, s1;
	[sflag:s0] =	ssyncset.done @!p0 $0x0  }
0x281: {  	[sflag:s0] =	ssyncadd.s32 @!p0 s1  }
0x282: {  	[bflag:$0x3] =	sbarrier.arrive $0xFFFF  }
0x283: {  	_ =	shalt  }

</sc_bundles>
